<compile_context>
chip_gen: v7x
topology: tpu7x:2x2x1
jax: 0.10.2.dev20260603
libtpu: 0.0.44.dev20260713+nightly
codegen_flags: <defaults>
</compile_context>

<pallas_src>
import functools

import jax
import jax.numpy as jnp
from jax import lax
from jax.experimental import pallas as pl
from jax.experimental.pallas import tpu as pltpu
from jax.experimental.pallas import tpu_sc as plsc

MAX_LEN = 8192
EMBED_DIM = 1024

NUM_CORES = 2
NUM_SUBCORES = 16
NUM_WORKERS = NUM_CORES * NUM_SUBCORES

ROWS_PER_WORKER = MAX_LEN // NUM_WORKERS
CHUNK_SIZES = (40, 40, 40, 40, 40, 40, 16)
CHUNK_OFFS = tuple(sum(CHUNK_SIZES[:i]) for i in range(len(CHUNK_SIZES)))
assert sum(CHUNK_SIZES) == ROWS_PER_WORKER
MAX_CHUNK = max(CHUNK_SIZES)
NBUF = 3
LOOKAHEAD = 2
NUM_CHUNKS = len(CHUNK_SIZES)


@functools.partial(
    pl.kernel,
    mesh=plsc.VectorSubcoreMesh(core_axis_name="c", subcore_axis_name="s"),
    out_type=jax.ShapeDtypeStruct((MAX_LEN, EMBED_DIM), jnp.float32),
    scratch_types=(
        [pltpu.VMEM((ROWS_PER_WORKER,), jnp.int32)]
        + [pltpu.VMEM((MAX_CHUNK, EMBED_DIM), jnp.float32)] * NBUF
        + [pltpu.SemaphoreType.DMA] * (2 * NBUF)
    ),
)
def _sc_row_gather(idx_hbm, table_hbm, out_hbm, idx_v, *rest):
    bufs = rest[:NBUF]
    g_sems = rest[NBUF:2 * NBUF]
    s_sems = rest[2 * NBUF:]
    wid = lax.axis_index("s") * NUM_CORES + lax.axis_index("c")
    base = wid * ROWS_PER_WORKER

    def gather(c, b):
        sz = CHUNK_SIZES[c]
        return pltpu.async_copy(
            table_hbm.at[idx_v.at[pl.ds(CHUNK_OFFS[c], sz)]],
            bufs[b].at[pl.ds(0, sz)], g_sems[b])

    g_copies = [None] * NBUF
    s_copies = [None] * NBUF
    pltpu.sync_copy(idx_hbm.at[pl.ds(base, CHUNK_SIZES[0])],
                    idx_v.at[pl.ds(0, CHUNK_SIZES[0])])
    g_copies[0] = gather(0, 0)
    pltpu.sync_copy(
        idx_hbm.at[pl.ds(base + CHUNK_SIZES[0],
                         ROWS_PER_WORKER - CHUNK_SIZES[0])],
        idx_v.at[pl.ds(CHUNK_SIZES[0], ROWS_PER_WORKER - CHUNK_SIZES[0])])
    for c in range(1, min(LOOKAHEAD, NUM_CHUNKS)):
        g_copies[c % NBUF] = gather(c, c % NBUF)
    for j in range(NUM_CHUNKS):
        b = j % NBUF
        c = j + LOOKAHEAD
        if c < NUM_CHUNKS:
            bc = c % NBUF
            if c >= NBUF:
                s_copies[bc].wait()
            g_copies[bc] = gather(c, bc)
        g_copies[b].wait()
        s_copies[b] = pltpu.async_copy(
            bufs[b].at[pl.ds(0, CHUNK_SIZES[j])],
            out_hbm.at[pl.ds(base + CHUNK_OFFS[j], CHUNK_SIZES[j])],
            s_sems[b])
    for b in range(NBUF):
        if s_copies[b] is not None:
            s_copies[b].wait()


def kernel(seq_len, pe):
    shift = jnp.asarray(seq_len, jnp.int32) - MAX_LEN
    positions = jnp.clip(
        jnp.arange(MAX_LEN, dtype=jnp.int32) + shift, 0, MAX_LEN - 1)
    return _sc_row_gather(positions, pe)

# --- scband reference (transcript-rebuilt; emitter-appended) ---
"""Pipeline reference for scband-learned-pe-41661182771527 (READ-ONLY COPY).

The authoritative reference and input builder live on the scoring server;
editing this copy changes nothing except your own understanding.
"""

import jax, jax.numpy as jnp
import numpy as np

MAX_LEN = 8192
EMBED_DIM = 1024

def setup_inputs(seed: int = 0) -> dict:
    key = jax.random.key(seed)
    k_pe, = jax.random.split(key, 1)
    pe = jax.random.normal(k_pe, (MAX_LEN, EMBED_DIM), dtype=jnp.float32)
    seq_len = 8192
    return {"seq_len": seq_len, "pe": pe}

def reference(seq_len, pe):
    # LearnedPE.forward: positions = arange(offset, offset + seq_len); return self.pe(positions)
    offset = 0
    static_len = pe.shape[0]
    positions = jnp.arange(offset, offset + static_len) + (seq_len - static_len)
    return jnp.take(pe, positions, axis=0)

if __name__ == "__main__":
    import jax
    _d = setup_inputs()
    print(jax.jit(kernel)(*tuple(_d.values())))

</pallas_src>

<mosaic_0001>
#map = affine_map<(d0, d1) -> (0)>
#map1 = affine_map<(d0, d1) -> (0, 0)>
module attributes {stable_mosaic.version = 14 : i64} {
  func.func @_sc_row_gather(%arg0: i32, %arg1: i32, %arg2: memref<8192xi32, #tpu.memory_space<hbm>>, %arg3: memref<8192x1024xf32, #tpu.memory_space<hbm>>, %arg4: memref<8192x1024xf32, #tpu.memory_space<hbm>>, %arg5: memref<256xi32, #tpu.memory_space<vmem>>, %arg6: memref<40x1024xf32, #tpu.memory_space<vmem>>, %arg7: memref<40x1024xf32, #tpu.memory_space<vmem>>, %arg8: memref<40x1024xf32, #tpu.memory_space<vmem>>, %arg9: memref<!tpu.dma_semaphore, #tpu.memory_space<semaphore_mem>>, %arg10: memref<!tpu.dma_semaphore, #tpu.memory_space<semaphore_mem>>, %arg11: memref<!tpu.dma_semaphore, #tpu.memory_space<semaphore_mem>>, %arg12: memref<!tpu.dma_semaphore, #tpu.memory_space<semaphore_mem>>, %arg13: memref<!tpu.dma_semaphore, #tpu.memory_space<semaphore_mem>>, %arg14: memref<!tpu.dma_semaphore, #tpu.memory_space<semaphore_mem>>) attributes {dimension_semantics = [#tpu.dimension_semantics<core_parallel>, #tpu.dimension_semantics<subcore_parallel>], iteration_bounds = array<i64: 2, 16>, scalar_prefetch = 0 : i64, scratch_operands = 10 : i64, tpu.core_type = #tpu.core_type<sc_vector_subcore>, window_params = [{transform_indices = #map}, {transform_indices = #map1}, {transform_indices = #map1}]} {
    %mul3A = arith.constant 2 : i32
    %mul3A_0 = arith.muli %arg1, %mul3A : i32
    %add3A = arith.addi %mul3A_0, %arg0 : i32
    %mul3A_1 = arith.constant 256 : i32
    %mul3A_2 = arith.muli %add3A, %mul3A_1 : i32
    "tpu.region"() ({
      %run_scoped3A = tpu.sem_alloc : memref<!tpu.dma_semaphore, #tpu.memory_space<semaphore_mem>>
      %dma_start3A_269 = arith.constant 0 : i32
      %dma_start3A_270 = tpu.memref_slice %arg5[%dma_start3A_269] : memref<256xi32, #tpu.memory_space<vmem>> -> memref<40xi32, #tpu.memory_space<vmem>>
      %dma_start3A_271 = tpu.memref_slice %arg2[%mul3A_2] : memref<8192xi32, #tpu.memory_space<hbm>> -> memref<40xi32, #tpu.memory_space<hbm>>
      %dma_start3A_272 = arith.constant 0 : i32
      %dma_start3A_273 = tpu.memref_slice %arg5[%dma_start3A_272] : memref<256xi32, #tpu.memory_space<vmem>> -> memref<40xi32, #tpu.memory_space<vmem>>
      %dma_start3A_274 = tpu.memref_slice %arg2[%mul3A_2] : memref<8192xi32, #tpu.memory_space<hbm>> -> memref<40xi32, #tpu.memory_space<hbm>>
      tpu.enqueue_dma source(%dma_start3A_274 : memref<40xi32, #tpu.memory_space<hbm>>) target(%dma_start3A_273 : memref<40xi32, #tpu.memory_space<vmem>>) target_semaphore(%run_scoped3A : memref<!tpu.dma_semaphore, #tpu.memory_space<semaphore_mem>>)
      %dma_wait3A_275 = arith.constant 0 : i32
      %dma_wait3A_276 = tpu.memref_slice %arg5[%dma_wait3A_275] : memref<256xi32, #tpu.memory_space<vmem>> -> memref<40xi32, #tpu.memory_space<vmem>>
      %dma_wait3A_277 = tpu.memref_slice %arg2[%mul3A_2] : memref<8192xi32, #tpu.memory_space<hbm>> -> memref<40xi32, #tpu.memory_space<hbm>>
      %dma_wait3A_278 = arith.constant 0 : i32
      %dma_wait3A_279 = tpu.memref_slice %arg5[%dma_wait3A_278] : memref<256xi32, #tpu.memory_space<vmem>> -> memref<40xi32, #tpu.memory_space<vmem>>
      %dma_wait3A_280 = tpu.memref_slice %arg2[%mul3A_2] : memref<8192xi32, #tpu.memory_space<hbm>> -> memref<40xi32, #tpu.memory_space<hbm>>
      tpu.wait_dma2 semaphore(%run_scoped3A : memref<!tpu.dma_semaphore, #tpu.memory_space<semaphore_mem>>) src(%dma_wait3A_280 : memref<40xi32, #tpu.memory_space<hbm>>) dst(%dma_wait3A_279 : memref<40xi32, #tpu.memory_space<vmem>>)
      tpu.yield
    }) : () -> ()
    %dma_start3A = arith.constant 0 : i32
    %dma_start3A_3 = arith.constant 0 : i32
    %dma_start3A_4 = tpu.memref_slice %arg6[%dma_start3A, %dma_start3A_3] : memref<40x1024xf32, #tpu.memory_space<vmem>> -> memref<40x1024xf32, #tpu.memory_space<vmem>>
    %dma_start3A_5 = arith.constant 0 : i32
    %dma_start3A_6 = tpu.memref_slice %arg5[%dma_start3A_5] : memref<256xi32, #tpu.memory_space<vmem>> -> memref<40xi32, #tpu.memory_space<vmem>>
    %dma_start3A_7 = arith.constant 0 : i32
    %dma_start3A_8 = arith.constant 0 : i32
    %dma_start3A_9 = tpu.memref_slice %arg3[%dma_start3A_7, %dma_start3A_8] : memref<8192x1024xf32, #tpu.memory_space<hbm>> -> memref<8192x1024xf32, #tpu.memory_space<hbm>>
    tpu.enqueue_indirect_dma source(%dma_start3A_9 : memref<8192x1024xf32, #tpu.memory_space<hbm>>) target(%dma_start3A_4 : memref<40x1024xf32, #tpu.memory_space<vmem>>) offsets(%dma_start3A_6 : memref<40xi32, #tpu.memory_space<vmem>>) semaphore(%arg9 : memref<!tpu.dma_semaphore, #tpu.memory_space<semaphore_mem>>)
    %add3A_10 = arith.constant 40 : i32
    %add3A_11 = arith.addi %mul3A_2, %add3A_10 : i32
    "tpu.region"() ({
      %run_scoped3A = tpu.sem_alloc : memref<!tpu.dma_semaphore, #tpu.memory_space<semaphore_mem>>
      %dma_start3A_269 = arith.constant 40 : i32
      %dma_start3A_270 = tpu.memref_slice %arg5[%dma_start3A_269] : memref<256xi32, #tpu.memory_space<vmem>> -> memref<216xi32, #tpu.memory_space<vmem>>
      %dma_start3A_271 = tpu.memref_slice %arg2[%add3A_11] : memref<8192xi32, #tpu.memory_space<hbm>> -> memref<216xi32, #tpu.memory_space<hbm>>
      %dma_start3A_272 = arith.constant 40 : i32
      %dma_start3A_273 = tpu.memref_slice %arg5[%dma_start3A_272] : memref<256xi32, #tpu.memory_space<vmem>> -> memref<216xi32, #tpu.memory_space<vmem>>
      %dma_start3A_274 = tpu.memref_slice %arg2[%add3A_11] : memref<8192xi32, #tpu.memory_space<hbm>> -> memref<216xi32, #tpu.memory_space<hbm>>
      tpu.enqueue_dma source(%dma_start3A_274 : memref<216xi32, #tpu.memory_space<hbm>>) target(%dma_start3A_273 : memref<216xi32, #tpu.memory_space<vmem>>) target_semaphore(%run_scoped3A : memref<!tpu.dma_semaphore, #tpu.memory_space<semaphore_mem>>)
      %dma_wait3A_275 = arith.constant 40 : i32
      %dma_wait3A_276 = tpu.memref_slice %arg5[%dma_wait3A_275] : memref<256xi32, #tpu.memory_space<vmem>> -> memref<216xi32, #tpu.memory_space<vmem>>
      %dma_wait3A_277 = tpu.memref_slice %arg2[%add3A_11] : memref<8192xi32, #tpu.memory_space<hbm>> -> memref<216xi32, #tpu.memory_space<hbm>>
      %dma_wait3A_278 = arith.constant 40 : i32
      %dma_wait3A_279 = tpu.memref_slice %arg5[%dma_wait3A_278] : memref<256xi32, #tpu.memory_space<vmem>> -> memref<216xi32, #tpu.memory_space<vmem>>
      %dma_wait3A_280 = tpu.memref_slice %arg2[%add3A_11] : memref<8192xi32, #tpu.memory_space<hbm>> -> memref<216xi32, #tpu.memory_space<hbm>>
      tpu.wait_dma2 semaphore(%run_scoped3A : memref<!tpu.dma_semaphore, #tpu.memory_space<semaphore_mem>>) src(%dma_wait3A_280 : memref<216xi32, #tpu.memory_space<hbm>>) dst(%dma_wait3A_279 : memref<216xi32, #tpu.memory_space<vmem>>)
      tpu.yield
    }) : () -> ()
    %dma_start3A_12 = arith.constant 0 : i32
    %dma_start3A_13 = arith.constant 0 : i32
    %dma_start3A_14 = tpu.memref_slice %arg7[%dma_start3A_12, %dma_start3A_13] : memref<40x1024xf32, #tpu.memory_space<vmem>> -> memref<40x1024xf32, #tpu.memory_space<vmem>>
    %dma_start3A_15 = arith.constant 40 : i32
    %dma_start3A_16 = tpu.memref_slice %arg5[%dma_start3A_15] : memref<256xi32, #tpu.memory_space<vmem>> -> memref<40xi32, #tpu.memory_space<vmem>>
    %dma_start3A_17 = arith.constant 0 : i32
    %dma_start3A_18 = arith.constant 0 : i32
    %dma_start3A_19 = tpu.memref_slice %arg3[%dma_start3A_17, %dma_start3A_18] : memref<8192x1024xf32, #tpu.memory_space<hbm>> -> memref<8192x1024xf32, #tpu.memory_space<hbm>>
    tpu.enqueue_indirect_dma source(%dma_start3A_19 : memref<8192x1024xf32, #tpu.memory_space<hbm>>) target(%dma_start3A_14 : memref<40x1024xf32, #tpu.memory_space<vmem>>) offsets(%dma_start3A_16 : memref<40xi32, #tpu.memory_space<vmem>>) semaphore(%arg10 : memref<!tpu.dma_semaphore, #tpu.memory_space<semaphore_mem>>)
    %dma_start3A_20 = arith.constant 0 : i32
    %dma_start3A_21 = arith.constant 0 : i32
    %dma_start3A_22 = tpu.memref_slice %arg8[%dma_start3A_20, %dma_start3A_21] : memref<40x1024xf32, #tpu.memory_space<vmem>> -> memref<40x1024xf32, #tpu.memory_space<vmem>>
    %dma_start3A_23 = arith.constant 80 : i32
    %dma_start3A_24 = tpu.memref_slice %arg5[%dma_start3A_23] : memref<256xi32, #tpu.memory_space<vmem>> -> memref<40xi32, #tpu.memory_space<vmem>>
    %dma_start3A_25 = arith.constant 0 : i32
    %dma_start3A_26 = arith.constant 0 : i32
    %dma_start3A_27 = tpu.memref_slice %arg3[%dma_start3A_25, %dma_start3A_26] : memref<8192x1024xf32, #tpu.memory_space<hbm>> -> memref<8192x1024xf32, #tpu.memory_space<hbm>>
    tpu.enqueue_indirect_dma source(%dma_start3A_27 : memref<8192x1024xf32, #tpu.memory_space<hbm>>) target(%dma_start3A_22 : memref<40x1024xf32, #tpu.memory_space<vmem>>) offsets(%dma_start3A_24 : memref<40xi32, #tpu.memory_space<vmem>>) semaphore(%arg11 : memref<!tpu.dma_semaphore, #tpu.memory_space<semaphore_mem>>)
    %dma_wait3A = arith.constant 0 : i32
    %dma_wait3A_28 = arith.constant 0 : i32
    %dma_wait3A_29 = tpu.memref_slice %arg6[%dma_wait3A, %dma_wait3A_28] : memref<40x1024xf32, #tpu.memory_space<vmem>> -> memref<40x1024xf32, #tpu.memory_space<vmem>>
    %dma_wait3A_30 = arith.constant 0 : i32
    %dma_wait3A_31 = tpu.memref_slice %arg5[%dma_wait3A_30] : memref<256xi32, #tpu.memory_space<vmem>> -> memref<40xi32, #tpu.memory_space<vmem>>
    %dma_wait3A_32 = arith.constant 0 : i32
    %dma_wait3A_33 = arith.constant 0 : i32
    %dma_wait3A_34 = tpu.memref_slice %arg3[%dma_wait3A_32, %dma_wait3A_33] : memref<8192x1024xf32, #tpu.memory_space<hbm>> -> memref<8192x1024xf32, #tpu.memory_space<hbm>>
    tpu.wait_indirect_dma semaphore(%arg9 : memref<!tpu.dma_semaphore, #tpu.memory_space<semaphore_mem>>) src(%dma_wait3A_34 : memref<8192x1024xf32, #tpu.memory_space<hbm>>) dst(%dma_wait3A_29 : memref<40x1024xf32, #tpu.memory_space<vmem>>)
    %add3A_35 = arith.constant 0 : i32
    %add3A_36 = arith.addi %mul3A_2, %add3A_35 : i32
    %dma_start3A_37 = arith.constant 0 : i32
    %dma_start3A_38 = arith.constant 0 : i32
    %dma_start3A_39 = tpu.memref_slice %arg6[%dma_start3A_37, %dma_start3A_38] : memref<40x1024xf32, #tpu.memory_space<vmem>> -> memref<40x1024xf32, #tpu.memory_space<vmem>>
    %dma_start3A_40 = arith.constant 0 : i32
    %dma_start3A_41 = tpu.memref_slice %arg4[%add3A_36, %dma_start3A_40] : memref<8192x1024xf32, #tpu.memory_space<hbm>> -> memref<40x1024xf32, #tpu.memory_space<hbm>>
    %dma_start3A_42 = arith.constant 0 : i32
    %dma_start3A_43 = tpu.memref_slice %arg4[%add3A_36, %dma_start3A_42] : memref<8192x1024xf32, #tpu.memory_space<hbm>> -> memref<40x1024xf32, #tpu.memory_space<hbm>>
    %dma_start3A_44 = arith.constant 0 : i32
    %dma_start3A_45 = arith.constant 0 : i32
    %dma_start3A_46 = tpu.memref_slice %arg6[%dma_start3A_44, %dma_start3A_45] : memref<40x1024xf32, #tpu.memory_space<vmem>> -> memref<40x1024xf32, #tpu.memory_space<vmem>>
    tpu.enqueue_dma source(%dma_start3A_46 : memref<40x1024xf32, #tpu.memory_space<vmem>>) target(%dma_start3A_43 : memref<40x1024xf32, #tpu.memory_space<hbm>>) target_semaphore(%arg12 : memref<!tpu.dma_semaphore, #tpu.memory_space<semaphore_mem>>)
    %dma_wait3A_47 = arith.constant 0 : i32
    %dma_wait3A_48 = arith.constant 0 : i32
    %dma_wait3A_49 = tpu.memref_slice %arg6[%dma_wait3A_47, %dma_wait3A_48] : memref<40x1024xf32, #tpu.memory_space<vmem>> -> memref<40x1024xf32, #tpu.memory_space<vmem>>
    %dma_wait3A_50 = arith.constant 0 : i32
    %dma_wait3A_51 = tpu.memref_slice %arg4[%add3A_36, %dma_wait3A_50] : memref<8192x1024xf32, #tpu.memory_space<hbm>> -> memref<40x1024xf32, #tpu.memory_space<hbm>>
    %dma_wait3A_52 = arith.constant 0 : i32
    %dma_wait3A_53 = tpu.memref_slice %arg4[%add3A_36, %dma_wait3A_52] : memref<8192x1024xf32, #tpu.memory_space<hbm>> -> memref<40x1024xf32, #tpu.memory_space<hbm>>
    %dma_wait3A_54 = arith.constant 0 : i32
    %dma_wait3A_55 = arith.constant 0 : i32
    %dma_wait3A_56 = tpu.memref_slice %arg6[%dma_wait3A_54, %dma_wait3A_55] : memref<40x1024xf32, #tpu.memory_space<vmem>> -> memref<40x1024xf32, #tpu.memory_space<vmem>>
    tpu.wait_dma2 semaphore(%arg12 : memref<!tpu.dma_semaphore, #tpu.memory_space<semaphore_mem>>) src(%dma_wait3A_56 : memref<40x1024xf32, #tpu.memory_space<vmem>>) dst(%dma_wait3A_53 : memref<40x1024xf32, #tpu.memory_space<hbm>>)
    %dma_start3A_57 = arith.constant 0 : i32
    %dma_start3A_58 = arith.constant 0 : i32
    %dma_start3A_59 = tpu.memref_slice %arg6[%dma_start3A_57, %dma_start3A_58] : memref<40x1024xf32, #tpu.memory_space<vmem>> -> memref<40x1024xf32, #tpu.memory_space<vmem>>
    %dma_start3A_60 = arith.constant 120 : i32
    %dma_start3A_61 = tpu.memref_slice %arg5[%dma_start3A_60] : memref<256xi32, #tpu.memory_space<vmem>> -> memref<40xi32, #tpu.memory_space<vmem>>
    %dma_start3A_62 = arith.constant 0 : i32
    %dma_start3A_63 = arith.constant 0 : i32
    %dma_start3A_64 = tpu.memref_slice %arg3[%dma_start3A_62, %dma_start3A_63] : memref<8192x1024xf32, #tpu.memory_space<hbm>> -> memref<8192x1024xf32, #tpu.memory_space<hbm>>
    tpu.enqueue_indirect_dma source(%dma_start3A_64 : memref<8192x1024xf32, #tpu.memory_space<hbm>>) target(%dma_start3A_59 : memref<40x1024xf32, #tpu.memory_space<vmem>>) offsets(%dma_start3A_61 : memref<40xi32, #tpu.memory_space<vmem>>) semaphore(%arg9 : memref<!tpu.dma_semaphore, #tpu.memory_space<semaphore_mem>>)
    %dma_wait3A_65 = arith.constant 0 : i32
    %dma_wait3A_66 = arith.constant 0 : i32
    %dma_wait3A_67 = tpu.memref_slice %arg7[%dma_wait3A_65, %dma_wait3A_66] : memref<40x1024xf32, #tpu.memory_space<vmem>> -> memref<40x1024xf32, #tpu.memory_space<vmem>>
    %dma_wait3A_68 = arith.constant 40 : i32
    %dma_wait3A_69 = tpu.memref_slice %arg5[%dma_wait3A_68] : memref<256xi32, #tpu.memory_space<vmem>> -> memref<40xi32, #tpu.memory_space<vmem>>
    %dma_wait3A_70 = arith.constant 0 : i32
    %dma_wait3A_71 = arith.constant 0 : i32
    %dma_wait3A_72 = tpu.memref_slice %arg3[%dma_wait3A_70, %dma_wait3A_71] : memref<8192x1024xf32, #tpu.memory_space<hbm>> -> memref<8192x1024xf32, #tpu.memory_space<hbm>>
    tpu.wait_indirect_dma semaphore(%arg10 : memref<!tpu.dma_semaphore, #tpu.memory_space<semaphore_mem>>) src(%dma_wait3A_72 : memref<8192x1024xf32, #tpu.memory_space<hbm>>) dst(%dma_wait3A_67 : memref<40x1024xf32, #tpu.memory_space<vmem>>)
    %add3A_73 = arith.constant 40 : i32
    %add3A_74 = arith.addi %mul3A_2, %add3A_73 : i32
    %dma_start3A_75 = arith.constant 0 : i32
    %dma_start3A_76 = arith.constant 0 : i32
    %dma_start3A_77 = tpu.memref_slice %arg7[%dma_start3A_75, %dma_start3A_76] : memref<40x1024xf32, #tpu.memory_space<vmem>> -> memref<40x1024xf32, #tpu.memory_space<vmem>>
    %dma_start3A_78 = arith.constant 0 : i32
    %dma_start3A_79 = tpu.memref_slice %arg4[%add3A_74, %dma_start3A_78] : memref<8192x1024xf32, #tpu.memory_space<hbm>> -> memref<40x1024xf32, #tpu.memory_space<hbm>>
    %dma_start3A_80 = arith.constant 0 : i32
    %dma_start3A_81 = tpu.memref_slice %arg4[%add3A_74, %dma_start3A_80] : memref<8192x1024xf32, #tpu.memory_space<hbm>> -> memref<40x1024xf32, #tpu.memory_space<hbm>>
    %dma_start3A_82 = arith.constant 0 : i32
    %dma_start3A_83 = arith.constant 0 : i32
    %dma_start3A_84 = tpu.memref_slice %arg7[%dma_start3A_82, %dma_start3A_83] : memref<40x1024xf32, #tpu.memory_space<vmem>> -> memref<40x1024xf32, #tpu.memory_space<vmem>>
    tpu.enqueue_dma source(%dma_start3A_84 : memref<40x1024xf32, #tpu.memory_space<vmem>>) target(%dma_start3A_81 : memref<40x1024xf32, #tpu.memory_space<hbm>>) target_semaphore(%arg13 : memref<!tpu.dma_semaphore, #tpu.memory_space<semaphore_mem>>)
    %dma_wait3A_85 = arith.constant 0 : i32
    %dma_wait3A_86 = arith.constant 0 : i32
    %dma_wait3A_87 = tpu.memref_slice %arg7[%dma_wait3A_85, %dma_wait3A_86] : memref<40x1024xf32, #tpu.memory_space<vmem>> -> memref<40x1024xf32, #tpu.memory_space<vmem>>
    %dma_wait3A_88 = arith.constant 0 : i32
    %dma_wait3A_89 = tpu.memref_slice %arg4[%add3A_74, %dma_wait3A_88] : memref<8192x1024xf32, #tpu.memory_space<hbm>> -> memref<40x1024xf32, #tpu.memory_space<hbm>>
    %dma_wait3A_90 = arith.constant 0 : i32
    %dma_wait3A_91 = tpu.memref_slice %arg4[%add3A_74, %dma_wait3A_90] : memref<8192x1024xf32, #tpu.memory_space<hbm>> -> memref<40x1024xf32, #tpu.memory_space<hbm>>
    %dma_wait3A_92 = arith.constant 0 : i32
    %dma_wait3A_93 = arith.constant 0 : i32
    %dma_wait3A_94 = tpu.memref_slice %arg7[%dma_wait3A_92, %dma_wait3A_93] : memref<40x1024xf32, #tpu.memory_space<vmem>> -> memref<40x1024xf32, #tpu.memory_space<vmem>>
    tpu.wait_dma2 semaphore(%arg13 : memref<!tpu.dma_semaphore, #tpu.memory_space<semaphore_mem>>) src(%dma_wait3A_94 : memref<40x1024xf32, #tpu.memory_space<vmem>>) dst(%dma_wait3A_91 : memref<40x1024xf32, #tpu.memory_space<hbm>>)
    %dma_start3A_95 = arith.constant 0 : i32
    %dma_start3A_96 = arith.constant 0 : i32
    %dma_start3A_97 = tpu.memref_slice %arg7[%dma_start3A_95, %dma_start3A_96] : memref<40x1024xf32, #tpu.memory_space<vmem>> -> memref<40x1024xf32, #tpu.memory_space<vmem>>
    %dma_start3A_98 = arith.constant 160 : i32
    %dma_start3A_99 = tpu.memref_slice %arg5[%dma_start3A_98] : memref<256xi32, #tpu.memory_space<vmem>> -> memref<40xi32, #tpu.memory_space<vmem>>
    %dma_start3A_100 = arith.constant 0 : i32
    %dma_start3A_101 = arith.constant 0 : i32
    %dma_start3A_102 = tpu.memref_slice %arg3[%dma_start3A_100, %dma_start3A_101] : memref<8192x1024xf32, #tpu.memory_space<hbm>> -> memref<8192x1024xf32, #tpu.memory_space<hbm>>
    tpu.enqueue_indirect_dma source(%dma_start3A_102 : memref<8192x1024xf32, #tpu.memory_space<hbm>>) target(%dma_start3A_97 : memref<40x1024xf32, #tpu.memory_space<vmem>>) offsets(%dma_start3A_99 : memref<40xi32, #tpu.memory_space<vmem>>) semaphore(%arg10 : memref<!tpu.dma_semaphore, #tpu.memory_space<semaphore_mem>>)
    %dma_wait3A_103 = arith.constant 0 : i32
    %dma_wait3A_104 = arith.constant 0 : i32
    %dma_wait3A_105 = tpu.memref_slice %arg8[%dma_wait3A_103, %dma_wait3A_104] : memref<40x1024xf32, #tpu.memory_space<vmem>> -> memref<40x1024xf32, #tpu.memory_space<vmem>>
    %dma_wait3A_106 = arith.constant 80 : i32
    %dma_wait3A_107 = tpu.memref_slice %arg5[%dma_wait3A_106] : memref<256xi32, #tpu.memory_space<vmem>> -> memref<40xi32, #tpu.memory_space<vmem>>
    %dma_wait3A_108 = arith.constant 0 : i32
    %dma_wait3A_109 = arith.constant 0 : i32
    %dma_wait3A_110 = tpu.memref_slice %arg3[%dma_wait3A_108, %dma_wait3A_109] : memref<8192x1024xf32, #tpu.memory_space<hbm>> -> memref<8192x1024xf32, #tpu.memory_space<hbm>>
    tpu.wait_indirect_dma semaphore(%arg11 : memref<!tpu.dma_semaphore, #tpu.memory_space<semaphore_mem>>) src(%dma_wait3A_110 : memref<8192x1024xf32, #tpu.memory_space<hbm>>) dst(%dma_wait3A_105 : memref<40x1024xf32, #tpu.memory_space<vmem>>)
    %add3A_111 = arith.constant 80 : i32
    %add3A_112 = arith.addi %mul3A_2, %add3A_111 : i32
    %dma_start3A_113 = arith.constant 0 : i32
    %dma_start3A_114 = arith.constant 0 : i32
    %dma_start3A_115 = tpu.memref_slice %arg8[%dma_start3A_113, %dma_start3A_114] : memref<40x1024xf32, #tpu.memory_space<vmem>> -> memref<40x1024xf32, #tpu.memory_space<vmem>>
    %dma_start3A_116 = arith.constant 0 : i32
    %dma_start3A_117 = tpu.memref_slice %arg4[%add3A_112, %dma_start3A_116] : memref<8192x1024xf32, #tpu.memory_space<hbm>> -> memref<40x1024xf32, #tpu.memory_space<hbm>>
    %dma_start3A_118 = arith.constant 0 : i32
    %dma_start3A_119 = tpu.memref_slice %arg4[%add3A_112, %dma_start3A_118] : memref<8192x1024xf32, #tpu.memory_space<hbm>> -> memref<40x1024xf32, #tpu.memory_space<hbm>>
    %dma_start3A_120 = arith.constant 0 : i32
    %dma_start3A_121 = arith.constant 0 : i32
    %dma_start3A_122 = tpu.memref_slice %arg8[%dma_start3A_120, %dma_start3A_121] : memref<40x1024xf32, #tpu.memory_space<vmem>> -> memref<40x1024xf32, #tpu.memory_space<vmem>>
    tpu.enqueue_dma source(%dma_start3A_122 : memref<40x1024xf32, #tpu.memory_space<vmem>>) target(%dma_start3A_119 : memref<40x1024xf32, #tpu.memory_space<hbm>>) target_semaphore(%arg14 : memref<!tpu.dma_semaphore, #tpu.memory_space<semaphore_mem>>)
    %dma_wait3A_123 = arith.constant 0 : i32
    %dma_wait3A_124 = arith.constant 0 : i32
    %dma_wait3A_125 = tpu.memref_slice %arg8[%dma_wait3A_123, %dma_wait3A_124] : memref<40x1024xf32, #tpu.memory_space<vmem>> -> memref<40x1024xf32, #tpu.memory_space<vmem>>
    %dma_wait3A_126 = arith.constant 0 : i32
    %dma_wait3A_127 = tpu.memref_slice %arg4[%add3A_112, %dma_wait3A_126] : memref<8192x1024xf32, #tpu.memory_space<hbm>> -> memref<40x1024xf32, #tpu.memory_space<hbm>>
    %dma_wait3A_128 = arith.constant 0 : i32
    %dma_wait3A_129 = tpu.memref_slice %arg4[%add3A_112, %dma_wait3A_128] : memref<8192x1024xf32, #tpu.memory_space<hbm>> -> memref<40x1024xf32, #tpu.memory_space<hbm>>
    %dma_wait3A_130 = arith.constant 0 : i32
    %dma_wait3A_131 = arith.constant 0 : i32
    %dma_wait3A_132 = tpu.memref_slice %arg8[%dma_wait3A_130, %dma_wait3A_131] : memref<40x1024xf32, #tpu.memory_space<vmem>> -> memref<40x1024xf32, #tpu.memory_space<vmem>>
    tpu.wait_dma2 semaphore(%arg14 : memref<!tpu.dma_semaphore, #tpu.memory_space<semaphore_mem>>) src(%dma_wait3A_132 : memref<40x1024xf32, #tpu.memory_space<vmem>>) dst(%dma_wait3A_129 : memref<40x1024xf32, #tpu.memory_space<hbm>>)
    %dma_start3A_133 = arith.constant 0 : i32
    %dma_start3A_134 = arith.constant 0 : i32
    %dma_start3A_135 = tpu.memref_slice %arg8[%dma_start3A_133, %dma_start3A_134] : memref<40x1024xf32, #tpu.memory_space<vmem>> -> memref<40x1024xf32, #tpu.memory_space<vmem>>
    %dma_start3A_136 = arith.constant 200 : i32
    %dma_start3A_137 = tpu.memref_slice %arg5[%dma_start3A_136] : memref<256xi32, #tpu.memory_space<vmem>> -> memref<40xi32, #tpu.memory_space<vmem>>
    %dma_start3A_138 = arith.constant 0 : i32
    %dma_start3A_139 = arith.constant 0 : i32
    %dma_start3A_140 = tpu.memref_slice %arg3[%dma_start3A_138, %dma_start3A_139] : memref<8192x1024xf32, #tpu.memory_space<hbm>> -> memref<8192x1024xf32, #tpu.memory_space<hbm>>
    tpu.enqueue_indirect_dma source(%dma_start3A_140 : memref<8192x1024xf32, #tpu.memory_space<hbm>>) target(%dma_start3A_135 : memref<40x1024xf32, #tpu.memory_space<vmem>>) offsets(%dma_start3A_137 : memref<40xi32, #tpu.memory_space<vmem>>) semaphore(%arg11 : memref<!tpu.dma_semaphore, #tpu.memory_space<semaphore_mem>>)
    %dma_wait3A_141 = arith.constant 0 : i32
    %dma_wait3A_142 = arith.constant 0 : i32
    %dma_wait3A_143 = tpu.memref_slice %arg6[%dma_wait3A_141, %dma_wait3A_142] : memref<40x1024xf32, #tpu.memory_space<vmem>> -> memref<40x1024xf32, #tpu.memory_space<vmem>>
    %dma_wait3A_144 = arith.constant 120 : i32
    %dma_wait3A_145 = tpu.memref_slice %arg5[%dma_wait3A_144] : memref<256xi32, #tpu.memory_space<vmem>> -> memref<40xi32, #tpu.memory_space<vmem>>
    %dma_wait3A_146 = arith.constant 0 : i32
    %dma_wait3A_147 = arith.constant 0 : i32
    %dma_wait3A_148 = tpu.memref_slice %arg3[%dma_wait3A_146, %dma_wait3A_147] : memref<8192x1024xf32, #tpu.memory_space<hbm>> -> memref<8192x1024xf32, #tpu.memory_space<hbm>>
    tpu.wait_indirect_dma semaphore(%arg9 : memref<!tpu.dma_semaphore, #tpu.memory_space<semaphore_mem>>) src(%dma_wait3A_148 : memref<8192x1024xf32, #tpu.memory_space<hbm>>) dst(%dma_wait3A_143 : memref<40x1024xf32, #tpu.memory_space<vmem>>)
    %add3A_149 = arith.constant 120 : i32
    %add3A_150 = arith.addi %mul3A_2, %add3A_149 : i32
    %dma_start3A_151 = arith.constant 0 : i32
    %dma_start3A_152 = arith.constant 0 : i32
    %dma_start3A_153 = tpu.memref_slice %arg6[%dma_start3A_151, %dma_start3A_152] : memref<40x1024xf32, #tpu.memory_space<vmem>> -> memref<40x1024xf32, #tpu.memory_space<vmem>>
    %dma_start3A_154 = arith.constant 0 : i32
    %dma_start3A_155 = tpu.memref_slice %arg4[%add3A_150, %dma_start3A_154] : memref<8192x1024xf32, #tpu.memory_space<hbm>> -> memref<40x1024xf32, #tpu.memory_space<hbm>>
    %dma_start3A_156 = arith.constant 0 : i32
    %dma_start3A_157 = tpu.memref_slice %arg4[%add3A_150, %dma_start3A_156] : memref<8192x1024xf32, #tpu.memory_space<hbm>> -> memref<40x1024xf32, #tpu.memory_space<hbm>>
    %dma_start3A_158 = arith.constant 0 : i32
    %dma_start3A_159 = arith.constant 0 : i32
    %dma_start3A_160 = tpu.memref_slice %arg6[%dma_start3A_158, %dma_start3A_159] : memref<40x1024xf32, #tpu.memory_space<vmem>> -> memref<40x1024xf32, #tpu.memory_space<vmem>>
    tpu.enqueue_dma source(%dma_start3A_160 : memref<40x1024xf32, #tpu.memory_space<vmem>>) target(%dma_start3A_157 : memref<40x1024xf32, #tpu.memory_space<hbm>>) target_semaphore(%arg12 : memref<!tpu.dma_semaphore, #tpu.memory_space<semaphore_mem>>)
    %dma_wait3A_161 = arith.constant 0 : i32
    %dma_wait3A_162 = arith.constant 0 : i32
    %dma_wait3A_163 = tpu.memref_slice %arg6[%dma_wait3A_161, %dma_wait3A_162] : memref<40x1024xf32, #tpu.memory_space<vmem>> -> memref<40x1024xf32, #tpu.memory_space<vmem>>
    %dma_wait3A_164 = arith.constant 0 : i32
    %dma_wait3A_165 = tpu.memref_slice %arg4[%add3A_150, %dma_wait3A_164] : memref<8192x1024xf32, #tpu.memory_space<hbm>> -> memref<40x1024xf32, #tpu.memory_space<hbm>>
    %dma_wait3A_166 = arith.constant 0 : i32
    %dma_wait3A_167 = tpu.memref_slice %arg4[%add3A_150, %dma_wait3A_166] : memref<8192x1024xf32, #tpu.memory_space<hbm>> -> memref<40x1024xf32, #tpu.memory_space<hbm>>
    %dma_wait3A_168 = arith.constant 0 : i32
    %dma_wait3A_169 = arith.constant 0 : i32
    %dma_wait3A_170 = tpu.memref_slice %arg6[%dma_wait3A_168, %dma_wait3A_169] : memref<40x1024xf32, #tpu.memory_space<vmem>> -> memref<40x1024xf32, #tpu.memory_space<vmem>>
    tpu.wait_dma2 semaphore(%arg12 : memref<!tpu.dma_semaphore, #tpu.memory_space<semaphore_mem>>) src(%dma_wait3A_170 : memref<40x1024xf32, #tpu.memory_space<vmem>>) dst(%dma_wait3A_167 : memref<40x1024xf32, #tpu.memory_space<hbm>>)
    %dma_start3A_171 = arith.constant 0 : i32
    %dma_start3A_172 = arith.constant 0 : i32
    %dma_start3A_173 = tpu.memref_slice %arg6[%dma_start3A_171, %dma_start3A_172] : memref<40x1024xf32, #tpu.memory_space<vmem>> -> memref<16x1024xf32, #tpu.memory_space<vmem>>
    %dma_start3A_174 = arith.constant 240 : i32
    %dma_start3A_175 = tpu.memref_slice %arg5[%dma_start3A_174] : memref<256xi32, #tpu.memory_space<vmem>> -> memref<16xi32, #tpu.memory_space<vmem>>
    %dma_start3A_176 = arith.constant 0 : i32
    %dma_start3A_177 = arith.constant 0 : i32
    %dma_start3A_178 = tpu.memref_slice %arg3[%dma_start3A_176, %dma_start3A_177] : memref<8192x1024xf32, #tpu.memory_space<hbm>> -> memref<8192x1024xf32, #tpu.memory_space<hbm>>
    tpu.enqueue_indirect_dma source(%dma_start3A_178 : memref<8192x1024xf32, #tpu.memory_space<hbm>>) target(%dma_start3A_173 : memref<16x1024xf32, #tpu.memory_space<vmem>>) offsets(%dma_start3A_175 : memref<16xi32, #tpu.memory_space<vmem>>) semaphore(%arg9 : memref<!tpu.dma_semaphore, #tpu.memory_space<semaphore_mem>>)
    %dma_wait3A_179 = arith.constant 0 : i32
    %dma_wait3A_180 = arith.constant 0 : i32
    %dma_wait3A_181 = tpu.memref_slice %arg7[%dma_wait3A_179, %dma_wait3A_180] : memref<40x1024xf32, #tpu.memory_space<vmem>> -> memref<40x1024xf32, #tpu.memory_space<vmem>>
    %dma_wait3A_182 = arith.constant 160 : i32
    %dma_wait3A_183 = tpu.memref_slice %arg5[%dma_wait3A_182] : memref<256xi32, #tpu.memory_space<vmem>> -> memref<40xi32, #tpu.memory_space<vmem>>
    %dma_wait3A_184 = arith.constant 0 : i32
    %dma_wait3A_185 = arith.constant 0 : i32
    %dma_wait3A_186 = tpu.memref_slice %arg3[%dma_wait3A_184, %dma_wait3A_185] : memref<8192x1024xf32, #tpu.memory_space<hbm>> -> memref<8192x1024xf32, #tpu.memory_space<hbm>>
    tpu.wait_indirect_dma semaphore(%arg10 : memref<!tpu.dma_semaphore, #tpu.memory_space<semaphore_mem>>) src(%dma_wait3A_186 : memref<8192x1024xf32, #tpu.memory_space<hbm>>) dst(%dma_wait3A_181 : memref<40x1024xf32, #tpu.memory_space<vmem>>)
    %add3A_187 = arith.constant 160 : i32
    %add3A_188 = arith.addi %mul3A_2, %add3A_187 : i32
    %dma_start3A_189 = arith.constant 0 : i32
    %dma_start3A_190 = arith.constant 0 : i32
    %dma_start3A_191 = tpu.memref_slice %arg7[%dma_start3A_189, %dma_start3A_190] : memref<40x1024xf32, #tpu.memory_space<vmem>> -> memref<40x1024xf32, #tpu.memory_space<vmem>>
    %dma_start3A_192 = arith.constant 0 : i32
    %dma_start3A_193 = tpu.memref_slice %arg4[%add3A_188, %dma_start3A_192] : memref<8192x1024xf32, #tpu.memory_space<hbm>> -> memref<40x1024xf32, #tpu.memory_space<hbm>>
    %dma_start3A_194 = arith.constant 0 : i32
    %dma_start3A_195 = tpu.memref_slice %arg4[%add3A_188, %dma_start3A_194] : memref<8192x1024xf32, #tpu.memory_space<hbm>> -> memref<40x1024xf32, #tpu.memory_space<hbm>>
    %dma_start3A_196 = arith.constant 0 : i32
    %dma_start3A_197 = arith.constant 0 : i32
    %dma_start3A_198 = tpu.memref_slice %arg7[%dma_start3A_196, %dma_start3A_197] : memref<40x1024xf32, #tpu.memory_space<vmem>> -> memref<40x1024xf32, #tpu.memory_space<vmem>>
    tpu.enqueue_dma source(%dma_start3A_198 : memref<40x1024xf32, #tpu.memory_space<vmem>>) target(%dma_start3A_195 : memref<40x1024xf32, #tpu.memory_space<hbm>>) target_semaphore(%arg13 : memref<!tpu.dma_semaphore, #tpu.memory_space<semaphore_mem>>)
    %dma_wait3A_199 = arith.constant 0 : i32
    %dma_wait3A_200 = arith.constant 0 : i32
    %dma_wait3A_201 = tpu.memref_slice %arg8[%dma_wait3A_199, %dma_wait3A_200] : memref<40x1024xf32, #tpu.memory_space<vmem>> -> memref<40x1024xf32, #tpu.memory_space<vmem>>
    %dma_wait3A_202 = arith.constant 200 : i32
    %dma_wait3A_203 = tpu.memref_slice %arg5[%dma_wait3A_202] : memref<256xi32, #tpu.memory_space<vmem>> -> memref<40xi32, #tpu.memory_space<vmem>>
    %dma_wait3A_204 = arith.constant 0 : i32
    %dma_wait3A_205 = arith.constant 0 : i32
    %dma_wait3A_206 = tpu.memref_slice %arg3[%dma_wait3A_204, %dma_wait3A_205] : memref<8192x1024xf32, #tpu.memory_space<hbm>> -> memref<8192x1024xf32, #tpu.memory_space<hbm>>
    tpu.wait_indirect_dma semaphore(%arg11 : memref<!tpu.dma_semaphore, #tpu.memory_space<semaphore_mem>>) src(%dma_wait3A_206 : memref<8192x1024xf32, #tpu.memory_space<hbm>>) dst(%dma_wait3A_201 : memref<40x1024xf32, #tpu.memory_space<vmem>>)
    %add3A_207 = arith.constant 200 : i32
    %add3A_208 = arith.addi %mul3A_2, %add3A_207 : i32
    %dma_start3A_209 = arith.constant 0 : i32
    %dma_start3A_210 = arith.constant 0 : i32
    %dma_start3A_211 = tpu.memref_slice %arg8[%dma_start3A_209, %dma_start3A_210] : memref<40x1024xf32, #tpu.memory_space<vmem>> -> memref<40x1024xf32, #tpu.memory_space<vmem>>
    %dma_start3A_212 = arith.constant 0 : i32
    %dma_start3A_213 = tpu.memref_slice %arg4[%add3A_208, %dma_start3A_212] : memref<8192x1024xf32, #tpu.memory_space<hbm>> -> memref<40x1024xf32, #tpu.memory_space<hbm>>
    %dma_start3A_214 = arith.constant 0 : i32
    %dma_start3A_215 = tpu.memref_slice %arg4[%add3A_208, %dma_start3A_214] : memref<8192x1024xf32, #tpu.memory_space<hbm>> -> memref<40x1024xf32, #tpu.memory_space<hbm>>
    %dma_start3A_216 = arith.constant 0 : i32
    %dma_start3A_217 = arith.constant 0 : i32
    %dma_start3A_218 = tpu.memref_slice %arg8[%dma_start3A_216, %dma_start3A_217] : memref<40x1024xf32, #tpu.memory_space<vmem>> -> memref<40x1024xf32, #tpu.memory_space<vmem>>
    tpu.enqueue_dma source(%dma_start3A_218 : memref<40x1024xf32, #tpu.memory_space<vmem>>) target(%dma_start3A_215 : memref<40x1024xf32, #tpu.memory_space<hbm>>) target_semaphore(%arg14 : memref<!tpu.dma_semaphore, #tpu.memory_space<semaphore_mem>>)
    %dma_wait3A_219 = arith.constant 0 : i32
    %dma_wait3A_220 = arith.constant 0 : i32
    %dma_wait3A_221 = tpu.memref_slice %arg6[%dma_wait3A_219, %dma_wait3A_220] : memref<40x1024xf32, #tpu.memory_space<vmem>> -> memref<16x1024xf32, #tpu.memory_space<vmem>>
    %dma_wait3A_222 = arith.constant 240 : i32
    %dma_wait3A_223 = tpu.memref_slice %arg5[%dma_wait3A_222] : memref<256xi32, #tpu.memory_space<vmem>> -> memref<16xi32, #tpu.memory_space<vmem>>
    %dma_wait3A_224 = arith.constant 0 : i32
    %dma_wait3A_225 = arith.constant 0 : i32
    %dma_wait3A_226 = tpu.memref_slice %arg3[%dma_wait3A_224, %dma_wait3A_225] : memref<8192x1024xf32, #tpu.memory_space<hbm>> -> memref<8192x1024xf32, #tpu.memory_space<hbm>>
    tpu.wait_indirect_dma semaphore(%arg9 : memref<!tpu.dma_semaphore, #tpu.memory_space<semaphore_mem>>) src(%dma_wait3A_226 : memref<8192x1024xf32, #tpu.memory_space<hbm>>) dst(%dma_wait3A_221 : memref<16x1024xf32, #tpu.memory_space<vmem>>)
    %add3A_227 = arith.constant 240 : i32
    %add3A_228 = arith.addi %mul3A_2, %add3A_227 : i32
    %dma_start3A_229 = arith.constant 0 : i32
    %dma_start3A_230 = arith.constant 0 : i32
    %dma_start3A_231 = tpu.memref_slice %arg6[%dma_start3A_229, %dma_start3A_230] : memref<40x1024xf32, #tpu.memory_space<vmem>> -> memref<16x1024xf32, #tpu.memory_space<vmem>>
    %dma_start3A_232 = arith.constant 0 : i32
    %dma_start3A_233 = tpu.memref_slice %arg4[%add3A_228, %dma_start3A_232] : memref<8192x1024xf32, #tpu.memory_space<hbm>> -> memref<16x1024xf32, #tpu.memory_space<hbm>>
    %dma_start3A_234 = arith.constant 0 : i32
    %dma_start3A_235 = tpu.memref_slice %arg4[%add3A_228, %dma_start3A_234] : memref<8192x1024xf32, #tpu.memory_space<hbm>> -> memref<16x1024xf32, #tpu.memory_space<hbm>>
    %dma_start3A_236 = arith.constant 0 : i32
    %dma_start3A_237 = arith.constant 0 : i32
    %dma_start3A_238 = tpu.memref_slice %arg6[%dma_start3A_236, %dma_start3A_237] : memref<40x1024xf32, #tpu.memory_space<vmem>> -> memref<16x1024xf32, #tpu.memory_space<vmem>>
    tpu.enqueue_dma source(%dma_start3A_238 : memref<16x1024xf32, #tpu.memory_space<vmem>>) target(%dma_start3A_235 : memref<16x1024xf32, #tpu.memory_space<hbm>>) target_semaphore(%arg12 : memref<!tpu.dma_semaphore, #tpu.memory_space<semaphore_mem>>)
    %dma_wait3A_239 = arith.constant 0 : i32
    %dma_wait3A_240 = arith.constant 0 : i32
    %dma_wait3A_241 = tpu.memref_slice %arg6[%dma_wait3A_239, %dma_wait3A_240] : memref<40x1024xf32, #tpu.memory_space<vmem>> -> memref<16x1024xf32, #tpu.memory_space<vmem>>
    %dma_wait3A_242 = arith.constant 0 : i32
    %dma_wait3A_243 = tpu.memref_slice %arg4[%add3A_228, %dma_wait3A_242] : memref<8192x1024xf32, #tpu.memory_space<hbm>> -> memref<16x1024xf32, #tpu.memory_space<hbm>>
    %dma_wait3A_244 = arith.constant 0 : i32
    %dma_wait3A_245 = tpu.memref_slice %arg4[%add3A_228, %dma_wait3A_244] : memref<8192x1024xf32, #tpu.memory_space<hbm>> -> memref<16x1024xf32, #tpu.memory_space<hbm>>
    %dma_wait3A_246 = arith.constant 0 : i32
    %dma_wait3A_247 = arith.constant 0 : i32
    %dma_wait3A_248 = tpu.memref_slice %arg6[%dma_wait3A_246, %dma_wait3A_247] : memref<40x1024xf32, #tpu.memory_space<vmem>> -> memref<16x1024xf32, #tpu.memory_space<vmem>>
    tpu.wait_dma2 semaphore(%arg12 : memref<!tpu.dma_semaphore, #tpu.memory_space<semaphore_mem>>) src(%dma_wait3A_248 : memref<16x1024xf32, #tpu.memory_space<vmem>>) dst(%dma_wait3A_245 : memref<16x1024xf32, #tpu.memory_space<hbm>>)
    %dma_wait3A_249 = arith.constant 0 : i32
    %dma_wait3A_250 = arith.constant 0 : i32
    %dma_wait3A_251 = tpu.memref_slice %arg7[%dma_wait3A_249, %dma_wait3A_250] : memref<40x1024xf32, #tpu.memory_space<vmem>> -> memref<40x1024xf32, #tpu.memory_space<vmem>>
    %dma_wait3A_252 = arith.constant 0 : i32
    %dma_wait3A_253 = tpu.memref_slice %arg4[%add3A_188, %dma_wait3A_252] : memref<8192x1024xf32, #tpu.memory_space<hbm>> -> memref<40x1024xf32, #tpu.memory_space<hbm>>
    %dma_wait3A_254 = arith.constant 0 : i32
    %dma_wait3A_255 = tpu.memref_slice %arg4[%add3A_188, %dma_wait3A_254] : memref<8192x1024xf32, #tpu.memory_space<hbm>> -> memref<40x1024xf32, #tpu.memory_space<hbm>>
    %dma_wait3A_256 = arith.constant 0 : i32
    %dma_wait3A_257 = arith.constant 0 : i32
    %dma_wait3A_258 = tpu.memref_slice %arg7[%dma_wait3A_256, %dma_wait3A_257] : memref<40x1024xf32, #tpu.memory_space<vmem>> -> memref<40x1024xf32, #tpu.memory_space<vmem>>
    tpu.wait_dma2 semaphore(%arg13 : memref<!tpu.dma_semaphore, #tpu.memory_space<semaphore_mem>>) src(%dma_wait3A_258 : memref<40x1024xf32, #tpu.memory_space<vmem>>) dst(%dma_wait3A_255 : memref<40x1024xf32, #tpu.memory_space<hbm>>)
    %dma_wait3A_259 = arith.constant 0 : i32
    %dma_wait3A_260 = arith.constant 0 : i32
    %dma_wait3A_261 = tpu.memref_slice %arg8[%dma_wait3A_259, %dma_wait3A_260] : memref<40x1024xf32, #tpu.memory_space<vmem>> -> memref<40x1024xf32, #tpu.memory_space<vmem>>
    %dma_wait3A_262 = arith.constant 0 : i32
    %dma_wait3A_263 = tpu.memref_slice %arg4[%add3A_208, %dma_wait3A_262] : memref<8192x1024xf32, #tpu.memory_space<hbm>> -> memref<40x1024xf32, #tpu.memory_space<hbm>>
    %dma_wait3A_264 = arith.constant 0 : i32
    %dma_wait3A_265 = tpu.memref_slice %arg4[%add3A_208, %dma_wait3A_264] : memref<8192x1024xf32, #tpu.memory_space<hbm>> -> memref<40x1024xf32, #tpu.memory_space<hbm>>
    %dma_wait3A_266 = arith.constant 0 : i32
    %dma_wait3A_267 = arith.constant 0 : i32
    %dma_wait3A_268 = tpu.memref_slice %arg8[%dma_wait3A_266, %dma_wait3A_267] : memref<40x1024xf32, #tpu.memory_space<vmem>> -> memref<40x1024xf32, #tpu.memory_space<vmem>>
    tpu.wait_dma2 semaphore(%arg14 : memref<!tpu.dma_semaphore, #tpu.memory_space<semaphore_mem>>) src(%dma_wait3A_268 : memref<40x1024xf32, #tpu.memory_space<vmem>>) dst(%dma_wait3A_265 : memref<40x1024xf32, #tpu.memory_space<hbm>>)
    return
  }
}

</mosaic_0001>

<sc_bundles>
// kernel: kernel.3.cloned.1.call-start
scs
__scs_entry_jumppad:
0x0: {  	(pc) =	sbr.rel $0x88, $3  }
0x1: {  	(tag) =	ssettag $0x0;
	lr =	simm.s32 $0x1  }
0x2: {  	[smem:$0x3F9F] =	sst lr;
	_ =	strace $0xD0000000  }
0x3: {  	_ = 	snop  }
0x4: {  	_ = 	snop  }
0x5: {  	_ = 	snop  }
0x6: {  	_ = 	snop  }
0x7: {  	_ = 	snop  }
__scs_overlays_trampoline_lowered:
0x8: {  	[smem:$0x3FAE] =	sst s0  }
0x9: {  	[smem:$0x3FAF] =	sst s1  }
0xa: {  	[smem:$0x3FB0] =	sst s2  }
0xb: {  	[smem:$0x3FB1] =	sst s3  }
0xc: {  	[smem:$0x3FB2] =	sst s4  }
0xd: {  	[smem:$0x3FB3] =	sst s5  }
0xe: {  	[smem:$0x3FB4] =	sst s6  }
0xf: {  	[smem:$0x3FB5] =	sst s7  }
0x10: {  	[smem:$0x3FB6] =	sst s8  }
0x11: {  	[smem:$0x3FB7] =	sst s9;
	s0 =	simm.s32 @!p0 $0x0  }
0x12: {  	s1 =	sld [smem:$0x3F9D];
	s0 =	simm.s32 @p0 $0x1  }
0x13: {  	[smem:$0x3FB8] =	sst s0;
	s0 =	simm.s32 @!p1 $0x0  }
0x14: {  	s2 =	sld [smem:$0x3F9C];
	s0 =	simm.s32 @p1 $0x1  }
0x15: {  	[smem:$0x3FB9] =	sst s0;
	s0 =	simm.s32 @!p2 $0x0  }
0x16: {  	s3 =	sld [smem:$0x3FDB];
	s0 =	simm.s32 @p2 $0x1  }
0x17: {  	s4 =	simm.s32 $0x1BF5;
	[smem:$0x3FBB] =	sst s0  }
0x18: {  	s0 =	sld [smem:$0x3F9E];
	_ =	swait.ge [sflag:s4], $0x0  }
0x19: {  	s7 =	sld [smem:$0x3F9F]  }
0x1a: {  	s8 =	sadd.s32 $0xFFFFE003, lr  }
0x1b: {  	s9 =	sadd.s32 $0xFFFFFEF7, lr;
	s5 =	simm.s32 $0xFFFFFFFF;
	p2 =	slt.u32 s8, $0xFFFFF086  }
0x1c: {  	p1 =	slt.u32 s9, $0xF7A;
	s5 =	simm.s32 @!p2 $0x0  }
0x1d: {  	s5 =	simm.s32 @p1 $0x1;
	p0 =	seq.s32 s7, s2  }
0x1e: {  	s7 =	smul.u32 @!p0 $0xF7A, s2;
	p2 =	seq.s32 @!p0 s5, $0x0  }
0x1f: {  	s9 =	smul.u32 $0xF7A, s1;
	s8 =	simm.s32 @!p0 $0x1BF5;
	p2 =	por !p2, p0  }
0x20: {  	[sflag:s8] =	ssyncset.s32 @!p0 $0xFFFFF086;
	s6 =	sadd.s32 @!p0 s3, s7;
	s7 =	simm.s32 @!p0 $0x108  }
0x21: {  	s3 =	sadd.s32 s3, s9;
	s6 =	sadd.s32 @!p0 $0x88, s6;
	s7 =	simm.s32 @p2 $0x1082  }
0x22: {  	[simem:s7], [sflag:s8] =	dma.local @!p0 [hbm:s6], $0xF7A  }
0x23: {  	s9 =	sor.u32 $0xD0000000, s2;
	s6 =	simm.s32 $0x108;
	_ =	swait.ge @!p0 [sflag:s8], $0x0  }
0x24: {  	s3 =	sadd.s32 $0x88, s3;
	s6 =	simm.s32 @!p1 $0x1082;
	[sflag:s4] =	ssyncset.s32 $0xFFFFF086  }
0x25: {  	[simem:s6], [sflag:s4] =	dma.local [hbm:s3], $0xF7A  }
0x26: {  	[smem:$0x3F9F] =	sst s1;
	(tag) =	ssettag s2;
	_ =	strace s9  }
0x27: {  	s1 =	sld [smem:$0x3FAF]  }
0x28: {  	s2 =	sld [smem:$0x3FB0]  }
0x29: {  	s4 =	sld [smem:$0x3FB2]  }
0x2a: {  	p0 =	seq.s32 s5, $0x0;
	s5 =	sld [smem:$0x3FB3]  }
0x2b: {  	s6 =	sld [smem:$0x3FB4]  }
0x2c: {  	s7 =	sld [smem:$0x3FB5]  }
0x2d: {  	s3 =	simm.s32 $0x108;
	s8 =	sld [smem:$0x3FB6]  }
0x2e: {  	s3 =	simm.s32 @!p0 $0x1082;
	s9 =	sld [smem:$0x3FB7]  }
0x2f: {  	lr =	sadd.s32 s0, s3;
	s0 =	sld [smem:$0x3FAE]  }
0x30: {  	s3 =	sld [smem:$0x3FB1]  }
0x31: {  	[smem:$0x3FBA] =	sst s10  }
0x32: {  	s10 =	sld [smem:$0x3FB8];
	_ =	sdelay $0x3  }
0x33: {  	p0 =	seq.s32 s10, $0x1;
	s10 =	sld [smem:$0x3FBA];
	_ =	sdelay $0x3  }
0x34: {  	[smem:$0x3FBA] =	sst s10  }
0x35: {  	s10 =	sld [smem:$0x3FB9];
	_ =	sdelay $0x3  }
0x36: {  	p1 =	seq.s32 s10, $0x1;
	s10 =	sld [smem:$0x3FBA];
	_ =	sdelay $0x3  }
0x37: {  	[smem:$0x3FBA] =	sst s10  }
0x38: {  	s10 =	sld [smem:$0x3FBB]  }
0x39: {  	_ = 	snop;
	(pc) =	sbr.ind lr, $3  }
0x3a: {  	_ = 	snop  }
0x3b: {  	_ = 	snop  }
0x3c: {  	p2 =	seq.s32 s10, $0x1;
	s10 =	sld [smem:$0x3FBA]  }
0x3d: {  	_ =	shalt  }
0x3e: {  	_ =	shalt  }
0x3f: {  	_ =	shalt  }
0x40: {  	_ =	shalt  }
0x41: {  	_ =	shalt  }
0x42: {  	_ =	shalt  }
0x43: {  	_ =	shalt  }
0x44: {  	_ =	shalt  }
0x45: {  	_ =	shalt  }
0x46: {  	_ =	shalt  }
0x47: {  	_ =	shalt  }
0x48: {  	_ =	shalt  }
0x49: {  	_ =	shalt  }
0x4a: {  	_ =	shalt  }
0x4b: {  	_ =	shalt  }
0x4c: {  	_ =	shalt  }
0x4d: {  	_ =	shalt  }
0x4e: {  	_ =	shalt  }
0x4f: {  	_ =	shalt  }
0x50: {  	_ =	shalt  }
0x51: {  	_ =	shalt  }
0x52: {  	_ =	shalt  }
0x53: {  	_ =	shalt  }
0x54: {  	_ =	shalt  }
0x55: {  	_ =	shalt  }
0x56: {  	_ =	shalt  }
0x57: {  	_ =	shalt  }
0x58: {  	_ =	shalt  }
0x59: {  	_ =	shalt  }
0x5a: {  	_ =	shalt  }
0x5b: {  	_ =	shalt  }
0x5c: {  	_ =	shalt  }
0x5d: {  	_ =	shalt  }
0x5e: {  	_ =	shalt  }
0x5f: {  	_ =	shalt  }
0x60: {  	_ =	shalt  }
0x61: {  	_ =	shalt  }
0x62: {  	_ =	shalt  }
0x63: {  	_ =	shalt  }
0x64: {  	_ =	shalt  }
0x65: {  	_ =	shalt  }
0x66: {  	_ =	shalt  }
0x67: {  	_ =	shalt  }
0x68: {  	_ =	shalt  }
0x69: {  	_ =	shalt  }
0x6a: {  	_ =	shalt  }
0x6b: {  	_ =	shalt  }
0x6c: {  	_ =	shalt  }
0x6d: {  	_ =	shalt  }
0x6e: {  	_ =	shalt  }
0x6f: {  	_ =	shalt  }
0x70: {  	_ =	shalt  }
0x71: {  	_ =	shalt  }
0x72: {  	_ =	shalt  }
0x73: {  	_ =	shalt  }
0x74: {  	_ =	shalt  }
0x75: {  	_ =	shalt  }
0x76: {  	_ =	shalt  }
0x77: {  	_ =	shalt  }
0x78: {  	_ =	shalt  }
0x79: {  	_ =	shalt  }
0x7a: {  	_ =	shalt  }
0x7b: {  	_ =	shalt  }
0x7c: {  	_ =	shalt  }
0x7d: {  	_ =	shalt  }
0x7e: {  	_ =	shalt  }
0x7f: {  	_ =	shalt  }
0x80: {  	_ =	shalt  }
0x81: {  	_ =	shalt  }
0x82: {  	_ =	shalt  }
0x83: {  	_ =	shalt  }
0x84: {  	_ =	shalt  }
0x85: {  	_ =	shalt  }
0x86: {  	_ =	shalt  }
0x87: {  	_ =	shalt  }
.Lfunc_end0:
.L_simem_size_0:
called_computation_lowered:
.L_overlay_start_0:
0x88: {  	s2 =	sld [smem:$0x3FD9]  }
0x89: {  	s3 =	sld [smem:$0x3FFE];
	_ =	sdelay $0x1  }
0x8a: {  	s1 =	srdreg.scid  }
0x8b: {  	s0 =	sand.u32 $0x1, s1  }
0x8c: {  	s17 =	sshll.u32 s0, $0xA;
	s2 =	sadd.s32 s3, s2  }
0x8d: {  	s2 =	sadd.s32 s2, s17  }
0x8e: {  	[smem:$0x3FC6] =	sst s2  }
0x8f: {  	_ = 	snop  }
0x90: {  	s2 =	sld [smem:$0x3FC8]  }
0x91: {  	s18 =	sld [smem:$0x3FD0];
	(tm) =	ssettm $0x1  }
0x92: {  	s4 =	sld [smem:$0x3FFB];
	_ =	sdelay $0x3  }
0x93: {  	_ =	strace s4  }
0x94: {  	s4 =	sld [smem:$0x3FFC];
	_ =	sdelay $0x3  }
0x95: {  	_ =	strace s4  }
0x96: {  	s4 =	sld [smem:$0x3FFD];
	_ =	sdelay $0x3  }
0x97: {  	_ =	strace s4  }
0x98: {  	_ =	strace $0x8FFFFFFF  }
0x99: {  	s19 =	sld [smem:$0x3FDB];
	_ =	sdelay $0x1  }
0x9a: {  	s5 =	simm.s32 $_scs_section_size  }
0x9b: {  	s6 =	simm.s32 $_size__tile_overlayer_lowered;
	s7 =	simm.s32 $_tile_overlayer_lowered  }
0x9c: {  	s22 =	simm.s32 $0x1BFF;
	s21 =	sshll.u32 s7, $0x1;
	s4 =	sadd.s32 s5, s19  }
0x9d: {  	s8 =	simm.s32 $0x0;
	s20 =	sshll.u32 s6, $0x1;
	s6 =	sadd.s32 s21, s4  }
0x9e: {  	[timem:s8], [sflag:s22] =	dma.local [hbm:s6], s20  }
0x9f: {  	_ =	swait.ge [sflag:s22], s20  }
0xa0: {  	s5 =	ssub.s32 $0x0, s20;
	[sflag:s22] =	ssyncset.done $0x0  }
0xa1: {  	[sflag:s22] =	ssyncadd.s32 s5;
	_ =	sdelay $0x1  }
0xa2: {  	s23 =	simm.s32 $0x1B8B  }
0xa3: {  	_ =	swait.ge [sflag:s23], $0x1  }
0xa4: {  	[sflag:s23] =	ssyncset.done $0x0  }
0xa5: {  	s25 =	simm.s32 $0x1B8E;
	s24 =	sld [smem:$0x3FFE];
	[sflag:s23] =	ssyncadd.s32 $0xFFFFFFFF  }
0xa6: {  	s26 =	simm.s32 $execute0_lowered;
	[smem:$0x3FD2] =	sst s25  }
0xa7: {  	s6 =	sshll.u32 s26, $0x1;
	_ =	strace $0x80000046;
	[dreg:$0x1] =	wrdreg $0xFFFFFFFF  }
0xa8: {  	s28 =	simm.s32 $_size_execute0_lowered;
	s4 =	sadd.s32 s4, s6;
	[dreg:$0x0] =	wrdreg $0x0  }
0xa9: {  	s6 =	sshll.u32 s28, $0x1;
	[dreg:$0x2] =	wrdreg s4  }
0xaa: {  	[dreg:$0x3] =	wrdreg s6  }
0xab: {  	[dreg:$0x4] =	wrdreg $0xC0  }
0xac: {  	_ =	task [dreg:s8], $0x5FFFF  }
0xad: {  	[dreg:$0x1] =	wrdreg $0xFFFFFFFF  }
0xae: {  	[dreg:$0x0] =	wrdreg $0x60  }
0xaf: {  	[dreg:$0x2] =	wrdreg s24  }
0xb0: {  	[dreg:$0x3] =	wrdreg s2  }
0xb1: {  	[dreg:$0x4] =	wrdreg s18  }
0xb2: {  	[dreg:$0x5] =	wrdreg $0x9  }
0xb3: {  	_ =	task.clear_ibuf [dreg:s8], $0x6FFFF;
	_ =	strace $0x90000046  }
0xb4: {  	s29 =	simm.s32 $0x9;
	_ =	strace $0x80000048  }
0xb5: {  	_ =	swait.ge [sflag:s29], $0x1  }
0xb6: {  	[sflag:s29] =	ssyncadd.s32 $0xFFFFFFFF  }
0xb7: {  	_ =	strace $0x90000048  }
0xb8: {  	_ =	sfence  }
0xb9: {  	s30 =	sld [smem:$0x0];
	_ =	sdelay $0x2  }
0xba: {  	s31 =	sshll.u32 s1, $0xD;
	s1 =	sshrl.u32 s1, $0x2  }
0xbb: {  	s3 =	sand.u32 $0x4000, s31;
	s1 =	sadd.s32 s1, s30  }
0xbc: {  	s0 =	sor.u32 s3, s0;
	s1 =	sshll.u32 s1, $0x11  }
0xbd: {  	s0 =	sor.u32 s1, s0  }
0xbe: {  	s0 =	sadd.s32 $0x8F2B, s0  }
0xbf: {  	[sflag:s0] =	ssyncadd.remote.s32 $0x1  }
0xc0: {  	_ =	sfence.sel $0xFFFF  }
0xc1: {  	[dreg:$0x0] =	wrdreg $0xFFFFFFFF;
	(pc) =	sbr.abs _section_cstart, $3  }
0xc2: {  	[dreg:$0x1] =	wrdreg $0xFFFFFFFF  }
0xc3: {  	_ =	task.clear_ibuf [dreg:s8], $0x2FFFF;
	_ =	strace $0x9FFFFFFF  }
0xc4: {  	(tm) =	ssettm $0x7FFFFFFF  }
0xc5: {  	_ =	shalt  }
tec
execute0_lowered:
.L_overlay_start_1:
0x0: {  	(tag) =	ssettag $0x1  }
0x1: {  	s0 =	rddreg [dreg:$0x0]  }
0x2: {  	s1 =	srdreg.scid;
	s2 =	rddreg [dreg:$0x1]  }
0x3: {  	s3 =	stileid.u32;
	s4 =	rddreg [dreg:$0x2];
	s26 =	simm.s32 $0x28  }
0x4: {  	s29 =	simm.s32 $0x4;
	s30 =	simm.s32 $0x100;
	s28 =	simm.s32 $0x6900  }
0x5: {  	s14 =	simm.s32 $0x9900;
	s31 =	simm.s32 $0xC100;
	s1 =	sand.u32 $0x1, s1  }
0x6: {  	s5 =	sshll.u32 s3, $0x9;
	s3 =	simm.s32 $0x0;
	s0 =	sadd.s32 $0x400, s0  }
0x7: {  	s6 =	sshll.u32 s1, $0x8;
	[smem:$0x7FF] =	sst s3;
	s1 =	ssub.s32 $0x2, s1  }
0x8: {  	s5 =	sor.u32 s6, s5;
	_ =	strace $0x80000047;
	s21 =	sshrl.u32 s1, $0x1  }
0x9: {  	[dreg:$0xc] =	wrdreg s26;
	s26 =	simm.s32 $0x6100;
	s6 =	sshrl.u32 s5, $0x3  }
0xa: {  	s7 =	sor.u32 $0x28, s5;
	s5 =	sshll.u32 s5, $0x7;
	s1 =	ssub.s32 s1, s21  }
0xb: {  	s21 =	simm.s32 $0x7900;
	s6 =	sadd.s32 s0, s6;
	s16 =	sshrl.u32 s7, $0x3  }
0xc: {  	s17 =	sshll.u32 s7, $0x7;
	s18 =	sadd.s32 s4, s5;
	[dreg:$0x4] =	wrdreg s6  }
0xd: {  	s5 =	sadd.s32 $0x100, s2;
	s0 =	sadd.s32 s0, s16;
	[dreg:$0xd] =	wrdreg s18  }
0xe: {  	s7 =	sadd.s32 $0x300, s2;
	s19 =	sadd.s32 s4, s17;
	[dreg:$0x5] =	wrdreg s0  }
0xf: {  	s8 =	smax.u32 s1, $0x1;
	s20 =	sadd.s32 $0x2800, s18;
	[dreg:$0x6] =	wrdreg s19  }
0x10: {  	s22 =	sadd.s32 $0x3C00, s18;
	s23 =	sadd.s32 $0x5000, s18;
	[dreg:$0x7] =	wrdreg s20  }
0x11: {  	s24 =	sadd.s32 $0x6400, s18;
	s6 =	sadd.s32 $0x200, s2;
	[dreg:$0x8] =	wrdreg s22  }
0x12: {  	s25 =	sadd.s32 $0x7800, s18;
	s4 =	simm.s32 $0x1;
	[dreg:$0x9] =	wrdreg s23  }
0x13: {  	v2 =	vlaneseq.u32;
	s16 =	simm.s32 $0xB100;
	s17 =	simm.s32 $0xB900;
	[dreg:$0xa] =	wrdreg s24  }
0x14: {  	vm0 =	vmmov $0xffff;
	v1 =	vshrl.u32 v2, $0x3;
	s18 =	simm.s32 $0xE100;
	[dreg:$0xb] =	wrdreg s25;
	s22 =	simm.s32 $0x4100  }
0x15: {  	v0 =	vand.u32 $0x7, v2;
	v2 =	vor.u32 $0x8, v2;
	v1 =	vmul.u32 $0x8, v1;
	s23 =	simm.s32 $0x4900;
	s24 =	simm.s32 $0x5100;
	s25 =	simm.s32 $0x5900  }
.LBB2_1:
0x16: {  	s19 =	rddreg [dreg:$0x4];
	s15 =	simm.s32 $0x7  }
0x17: {  	[tilespmem:s3], [sflag:$0x7] =	stream.linear.gather [hbm4b:s19+s3], $0x28, $0x38;
	[tilespmem:$0x1E100] =	vst v63  }
0x18: {  	_ =	swait.ge [sflag:s15], $0x28  }
0x19: {  	[sflag:s15] =	ssyncset.done $0x0  }
0x1a: {  	[sflag:s15] =	ssyncadd.s32 $0xFFFFFFD8  }
0x1b: {  	v3 =	vld [tilespmem:$0x0];
	_ =	sdelay $0x4  }
0x1c: {  	v4 =	vshll.u32 v3, $0x3  }
0x1d: {  	v3 =	vand.u32 $0x7, v3;
	v4 =	vand.u32 $0xFFFFFFC0, v4  }
0x1e: {  	v3 =	vor.u32 v3, v4  }
0x1f: {  	v4 =	vperm.xlane v3, v0;
	_ =	sdelay $0x1  }
0x20: {  	v4 =	vadd.s32 v1, v4;
	_ =	sdelay $0x4  }
0x21: {  	[tilespmem:s30], [sflag:$0x1] =	stream.indirect_vreg.gather [hbm4b:s2+s3], $0x80, v4, vm0, $0xb8;
	[tilespmem:$0x1E100] =	vst v63  }
0x22: {  	s0 =	simm.s32 $0x900;
	v3 =	vperm.xlane v3, v2  }
0x23: {  	[tilespmem:s0], [sflag:$0x1] =	stream.indirect_vreg.gather [hbm4b:s5+s3], $0x80, v4, vm0, $0xb8;
	[tilespmem:$0x1E100] =	vst v63  }
0x24: {  	s12 =	simm.s32 $0x1100;
	v3 =	vadd.s32 v1, v3  }
0x25: {  	[tilespmem:s12], [sflag:$0x1] =	stream.indirect_vreg.gather [hbm4b:s6+s3], $0x80, v4, vm0, $0xb8;
	[tilespmem:$0x1E100] =	vst v63  }
0x26: {  	s13 =	simm.s32 $0x1900  }
0x27: {  	[tilespmem:s13], [sflag:$0x1] =	stream.indirect_vreg.gather [hbm4b:s7+s3], $0x80, v4, vm0, $0xb8;
	[tilespmem:$0x1E100] =	vst v63  }
0x28: {  	s19 =	simm.s32 $0x2100  }
0x29: {  	[tilespmem:s19], [sflag:$0x1] =	stream.indirect_vreg.gather [hbm4b:s2+s3], $0x80, v3, vm0, $0xb8;
	[tilespmem:$0x1E100] =	vst v63  }
0x2a: {  	s20 =	simm.s32 $0x2900  }
0x2b: {  	[tilespmem:s20], [sflag:$0x1] =	stream.indirect_vreg.gather [hbm4b:s5+s3], $0x80, v3, vm0, $0xb8;
	[tilespmem:$0x1E100] =	vst v63  }
0x2c: {  	s1 =	simm.s32 $0x3100  }
0x2d: {  	[tilespmem:s1], [sflag:$0x1] =	stream.indirect_vreg.gather [hbm4b:s6+s3], $0x80, v3, vm0, $0xb8;
	[tilespmem:$0x1E100] =	vst v63  }
0x2e: {  	s9 =	simm.s32 $0x3900  }
0x2f: {  	[tilespmem:s9], [sflag:$0x1] =	stream.indirect_vreg.gather [hbm4b:s7+s3], $0x80, v3, vm0, $0xb8;
	[tilespmem:$0x1E100] =	vst v63  }
0x30: {  	v3 =	vld [tilespmem:$0x10];
	_ =	sdelay $0x4  }
0x31: {  	v46 =	vshll.u32 v3, $0x3  }
0x32: {  	v3 =	vand.u32 $0x7, v3;
	v4 =	vand.u32 $0xFFFFFFC0, v46  }
0x33: {  	v3 =	vor.u32 v3, v4  }
0x34: {  	v4 =	vperm.xlane v3, v0;
	_ =	sdelay $0x1  }
0x35: {  	v4 =	vadd.s32 v1, v4;
	_ =	sdelay $0x4  }
0x36: {  	[tilespmem:s22], [sflag:$0x1] =	stream.indirect_vreg.gather [hbm4b:s2+s3], $0x80, v4, vm0, $0xb8;
	[tilespmem:$0x1E100] =	vst v63  }
0x37: {  	v3 =	vperm.xlane v3, v2  }
0x38: {  	[tilespmem:s23], [sflag:$0x1] =	stream.indirect_vreg.gather [hbm4b:s5+s3], $0x80, v4, vm0, $0xb8;
	[tilespmem:$0x1E100] =	vst v63  }
0x39: {  	v3 =	vadd.s32 v1, v3  }
0x3a: {  	[tilespmem:s24], [sflag:$0x1] =	stream.indirect_vreg.gather [hbm4b:s6+s3], $0x80, v4, vm0, $0xb8;
	[tilespmem:$0x1E100] =	vst v63  }
0x3b: {  	_ = 	snop  }
0x3c: {  	[tilespmem:s25], [sflag:$0x1] =	stream.indirect_vreg.gather [hbm4b:s7+s3], $0x80, v4, vm0, $0xb8;
	[tilespmem:$0x1E100] =	vst v63  }
0x3d: {  	_ = 	snop  }
0x3e: {  	[tilespmem:s26], [sflag:$0x1] =	stream.indirect_vreg.gather [hbm4b:s2+s3], $0x80, v3, vm0, $0xb8;
	[tilespmem:$0x1E100] =	vst v63  }
0x3f: {  	_ = 	snop  }
0x40: {  	[tilespmem:s28], [sflag:$0x1] =	stream.indirect_vreg.gather [hbm4b:s5+s3], $0x80, v3, vm0, $0xb8;
	[tilespmem:$0x1E100] =	vst v63  }
0x41: {  	s11 =	simm.s32 $0x7100  }
0x42: {  	[tilespmem:s11], [sflag:$0x1] =	stream.indirect_vreg.gather [hbm4b:s6+s3], $0x80, v3, vm0, $0xb8;
	[tilespmem:$0x1E100] =	vst v63  }
0x43: {  	_ = 	snop  }
0x44: {  	[tilespmem:s21], [sflag:$0x1] =	stream.indirect_vreg.gather [hbm4b:s7+s3], $0x80, v3, vm0, $0xb8;
	[tilespmem:$0x1E100] =	vst v63  }
0x45: {  	v3 =	vld.msk [tilespmem:$0x20], $0xff;
	_ =	sdelay $0x4  }
0x46: {  	v47 =	vshll.u32 v3, $0x3  }
0x47: {  	v3 =	vand.u32 $0x7, v3;
	v4 =	vand.u32 $0xFFFFFFC0, v47  }
0x48: {  	v3 =	vor.u32 v3, v4  }
0x49: {  	v3 =	vperm.xlane v3, v0;
	_ =	sdelay $0x1  }
0x4a: {  	v3 =	vadd.s32 v1, v3;
	_ =	sdelay $0x3  }
0x4b: {  	s9 =	simm.s32 $0x8100  }
0x4c: {  	[tilespmem:s9], [sflag:$0x1] =	stream.indirect_vreg.gather [hbm4b:s2+s3], $0x80, v3, vm0, $0xb8;
	[tilespmem:$0x1E100] =	vst v63  }
0x4d: {  	s12 =	simm.s32 $0x8900  }
0x4e: {  	[tilespmem:s12], [sflag:$0x1] =	stream.indirect_vreg.gather [hbm4b:s5+s3], $0x80, v3, vm0, $0xb8;
	[tilespmem:$0x1E100] =	vst v63  }
0x4f: {  	s13 =	simm.s32 $0x9100  }
0x50: {  	[tilespmem:s13], [sflag:$0x1] =	stream.indirect_vreg.gather [hbm4b:s6+s3], $0x80, v3, vm0, $0xb8;
	[tilespmem:$0x1E100] =	vst v63  }
0x51: {  	s10 =	rddreg [dreg:$0x5]  }
0x52: {  	[tilespmem:s14], [sflag:$0x1] =	stream.indirect_vreg.gather [hbm4b:s7+s3], $0x80, v3, vm0, $0xb8;
	[tilespmem:$0x1E100] =	vst v63  }
0x53: {  	s20 =	rddreg [dreg:$0xc]  }
0x54: {  	[tilespmem:s20], [sflag:$0x7] =	stream.linear.gather [hbm4b:s10+s3], $0xD8, $0x38;
	[tilespmem:$0x1E100] =	vst v63  }
0x55: {  	_ =	swait.ge [sflag:s15], $0xD8  }
0x56: {  	[sflag:s15] =	ssyncset.done $0x0  }
0x57: {  	[sflag:s15] =	ssyncadd.s32 $0xFFFFFF28  }
0x58: {  	v3 =	vld [tilespmem:$0x28];
	_ =	sdelay $0x4  }
0x59: {  	v48 =	vshll.u32 v3, $0x3  }
0x5a: {  	v3 =	vand.u32 $0x7, v3;
	v4 =	vand.u32 $0xFFFFFFC0, v48  }
0x5b: {  	v3 =	vor.u32 v3, v4  }
0x5c: {  	v4 =	vperm.xlane v3, v0;
	_ =	sdelay $0x1  }
0x5d: {  	v4 =	vadd.s32 v1, v4;
	_ =	sdelay $0x3  }
0x5e: {  	s19 =	simm.s32 $0xA100  }
0x5f: {  	[tilespmem:s19], [sflag:$0x2] =	stream.indirect_vreg.gather [hbm4b:s2+s3], $0x80, v4, vm0, $0xb8;
	[tilespmem:$0x1E100] =	vst v63  }
0x60: {  	s15 =	simm.s32 $0xA900;
	v3 =	vperm.xlane v3, v2  }
0x61: {  	[tilespmem:s15], [sflag:$0x2] =	stream.indirect_vreg.gather [hbm4b:s5+s3], $0x80, v4, vm0, $0xb8;
	[tilespmem:$0x1E100] =	vst v63  }
0x62: {  	v3 =	vadd.s32 v1, v3  }
0x63: {  	[tilespmem:s16], [sflag:$0x2] =	stream.indirect_vreg.gather [hbm4b:s6+s3], $0x80, v4, vm0, $0xb8;
	[tilespmem:$0x1E100] =	vst v63  }
0x64: {  	_ = 	snop  }
0x65: {  	[tilespmem:s17], [sflag:$0x2] =	stream.indirect_vreg.gather [hbm4b:s7+s3], $0x80, v4, vm0, $0xb8;
	[tilespmem:$0x1E100] =	vst v63  }
0x66: {  	_ = 	snop  }
0x67: {  	[tilespmem:s31], [sflag:$0x2] =	stream.indirect_vreg.gather [hbm4b:s2+s3], $0x80, v3, vm0, $0xb8;
	[tilespmem:$0x1E100] =	vst v63  }
0x68: {  	s10 =	simm.s32 $0xC900  }
0x69: {  	[tilespmem:s10], [sflag:$0x2] =	stream.indirect_vreg.gather [hbm4b:s5+s3], $0x80, v3, vm0, $0xb8;
	[tilespmem:$0x1E100] =	vst v63  }
0x6a: {  	s1 =	simm.s32 $0xD100  }
0x6b: {  	[tilespmem:s1], [sflag:$0x2] =	stream.indirect_vreg.gather [hbm4b:s6+s3], $0x80, v3, vm0, $0xb8;
	[tilespmem:$0x1E100] =	vst v63  }
0x6c: {  	s20 =	simm.s32 $0xD900  }
0x6d: {  	[tilespmem:s20], [sflag:$0x2] =	stream.indirect_vreg.gather [hbm4b:s7+s3], $0x80, v3, vm0, $0xb8;
	[tilespmem:$0x1E100] =	vst v63  }
0x6e: {  	v3 =	vld [tilespmem:$0x38];
	_ =	sdelay $0x4  }
0x6f: {  	v49 =	vshll.u32 v3, $0x3  }
0x70: {  	v3 =	vand.u32 $0x7, v3;
	v4 =	vand.u32 $0xFFFFFFC0, v49  }
0x71: {  	v3 =	vor.u32 v3, v4  }
0x72: {  	v4 =	vperm.xlane v3, v0;
	_ =	sdelay $0x1  }
0x73: {  	v4 =	vadd.s32 v1, v4;
	_ =	sdelay $0x4  }
0x74: {  	[tilespmem:s18], [sflag:$0x2] =	stream.indirect_vreg.gather [hbm4b:s2+s3], $0x80, v4, vm0, $0xb8;
	[tilespmem:$0x1E100] =	vst v63  }
0x75: {  	s20 =	simm.s32 $0xE900;
	v3 =	vperm.xlane v3, v2  }
0x76: {  	[tilespmem:s20], [sflag:$0x2] =	stream.indirect_vreg.gather [hbm4b:s5+s3], $0x80, v4, vm0, $0xb8;
	[tilespmem:$0x1E100] =	vst v63  }
0x77: {  	s19 =	simm.s32 $0xF100;
	v3 =	vadd.s32 v1, v3  }
0x78: {  	[tilespmem:s19], [sflag:$0x2] =	stream.indirect_vreg.gather [hbm4b:s6+s3], $0x80, v4, vm0, $0xb8;
	[tilespmem:$0x1E100] =	vst v63  }
0x79: {  	s19 =	simm.s32 $0xF900  }
0x7a: {  	[tilespmem:s19], [sflag:$0x2] =	stream.indirect_vreg.gather [hbm4b:s7+s3], $0x80, v4, vm0, $0xb8;
	[tilespmem:$0x1E100] =	vst v63  }
0x7b: {  	s19 =	simm.s32 $0x10100  }
0x7c: {  	[tilespmem:s19], [sflag:$0x2] =	stream.indirect_vreg.gather [hbm4b:s2+s3], $0x80, v3, vm0, $0xb8;
	[tilespmem:$0x1E100] =	vst v63  }
0x7d: {  	s19 =	simm.s32 $0x10900  }
0x7e: {  	[tilespmem:s19], [sflag:$0x2] =	stream.indirect_vreg.gather [hbm4b:s5+s3], $0x80, v3, vm0, $0xb8;
	[tilespmem:$0x1E100] =	vst v63  }
0x7f: {  	s19 =	simm.s32 $0x11100  }
0x80: {  	[tilespmem:s19], [sflag:$0x2] =	stream.indirect_vreg.gather [hbm4b:s6+s3], $0x80, v3, vm0, $0xb8;
	[tilespmem:$0x1E100] =	vst v63  }
0x81: {  	s19 =	simm.s32 $0x11900  }
0x82: {  	[tilespmem:s19], [sflag:$0x2] =	stream.indirect_vreg.gather [hbm4b:s7+s3], $0x80, v3, vm0, $0xb8;
	[tilespmem:$0x1E100] =	vst v63  }
0x83: {  	v3 =	vld.msk [tilespmem:$0x48], $0xff;
	_ =	sdelay $0x4  }
0x84: {  	v50 =	vshll.u32 v3, $0x3  }
0x85: {  	v3 =	vand.u32 $0x7, v3;
	v4 =	vand.u32 $0xFFFFFFC0, v50  }
0x86: {  	v3 =	vor.u32 v3, v4  }
0x87: {  	v3 =	vperm.xlane v3, v0;
	_ =	sdelay $0x1  }
0x88: {  	v3 =	vadd.s32 v1, v3;
	_ =	sdelay $0x3  }
0x89: {  	s19 =	simm.s32 $0x12100  }
0x8a: {  	[tilespmem:s19], [sflag:$0x2] =	stream.indirect_vreg.gather [hbm4b:s2+s3], $0x80, v3, vm0, $0xb8;
	[tilespmem:$0x1E100] =	vst v63  }
0x8b: {  	s19 =	simm.s32 $0x12900  }
0x8c: {  	[tilespmem:s19], [sflag:$0x2] =	stream.indirect_vreg.gather [hbm4b:s5+s3], $0x80, v3, vm0, $0xb8;
	[tilespmem:$0x1E100] =	vst v63  }
0x8d: {  	s19 =	simm.s32 $0x13100  }
0x8e: {  	[tilespmem:s19], [sflag:$0x2] =	stream.indirect_vreg.gather [hbm4b:s6+s3], $0x80, v3, vm0, $0xb8;
	[tilespmem:$0x1E100] =	vst v63  }
0x8f: {  	s19 =	simm.s32 $0x13900  }
0x90: {  	[tilespmem:s19], [sflag:$0x2] =	stream.indirect_vreg.gather [hbm4b:s7+s3], $0x80, v3, vm0, $0xb8;
	[tilespmem:$0x1E100] =	vst v63  }
0x91: {  	v3 =	vld [tilespmem:$0x50];
	_ =	sdelay $0x4  }
0x92: {  	v51 =	vshll.u32 v3, $0x3  }
0x93: {  	v3 =	vand.u32 $0x7, v3;
	v4 =	vand.u32 $0xFFFFFFC0, v51  }
0x94: {  	v3 =	vor.u32 v3, v4  }
0x95: {  	v4 =	vperm.xlane v3, v0;
	_ =	sdelay $0x1  }
0x96: {  	v4 =	vadd.s32 v1, v4;
	_ =	sdelay $0x3  }
0x97: {  	s0 =	simm.s32 $0x14100  }
0x98: {  	[tilespmem:s0], [sflag:$0x3] =	stream.indirect_vreg.gather [hbm4b:s2+s3], $0x80, v4, vm0, $0xb8;
	[tilespmem:$0x1E100] =	vst v63  }
0x99: {  	s19 =	simm.s32 $0x14900;
	v3 =	vperm.xlane v3, v2  }
0x9a: {  	[tilespmem:s19], [sflag:$0x3] =	stream.indirect_vreg.gather [hbm4b:s5+s3], $0x80, v4, vm0, $0xb8;
	[tilespmem:$0x1E100] =	vst v63  }
0x9b: {  	v3 =	vadd.s32 v1, v3;
	s19 =	simm.s32 $0x15100  }
0x9c: {  	[tilespmem:s19], [sflag:$0x3] =	stream.indirect_vreg.gather [hbm4b:s6+s3], $0x80, v4, vm0, $0xb8;
	[tilespmem:$0x1E100] =	vst v63  }
0x9d: {  	s19 =	simm.s32 $0x15900  }
0x9e: {  	[tilespmem:s19], [sflag:$0x3] =	stream.indirect_vreg.gather [hbm4b:s7+s3], $0x80, v4, vm0, $0xb8;
	[tilespmem:$0x1E100] =	vst v63  }
0x9f: {  	s19 =	simm.s32 $0x16100  }
0xa0: {  	[tilespmem:s19], [sflag:$0x3] =	stream.indirect_vreg.gather [hbm4b:s2+s3], $0x80, v3, vm0, $0xb8;
	[tilespmem:$0x1E100] =	vst v63  }
0xa1: {  	s19 =	simm.s32 $0x16900  }
0xa2: {  	[tilespmem:s19], [sflag:$0x3] =	stream.indirect_vreg.gather [hbm4b:s5+s3], $0x80, v3, vm0, $0xb8;
	[tilespmem:$0x1E100] =	vst v63  }
0xa3: {  	s19 =	simm.s32 $0x17100  }
0xa4: {  	[tilespmem:s19], [sflag:$0x3] =	stream.indirect_vreg.gather [hbm4b:s6+s3], $0x80, v3, vm0, $0xb8;
	[tilespmem:$0x1E100] =	vst v63  }
0xa5: {  	s19 =	simm.s32 $0x17900  }
0xa6: {  	[tilespmem:s19], [sflag:$0x3] =	stream.indirect_vreg.gather [hbm4b:s7+s3], $0x80, v3, vm0, $0xb8;
	[tilespmem:$0x1E100] =	vst v63  }
0xa7: {  	v3 =	vld [tilespmem:$0x60];
	_ =	sdelay $0x4  }
0xa8: {  	v52 =	vshll.u32 v3, $0x3  }
0xa9: {  	v3 =	vand.u32 $0x7, v3;
	v4 =	vand.u32 $0xFFFFFFC0, v52  }
0xaa: {  	v3 =	vor.u32 v3, v4  }
0xab: {  	v4 =	vperm.xlane v3, v0;
	_ =	sdelay $0x1  }
0xac: {  	v4 =	vadd.s32 v1, v4;
	_ =	sdelay $0x3  }
0xad: {  	s19 =	simm.s32 $0x18100  }
0xae: {  	[tilespmem:s19], [sflag:$0x3] =	stream.indirect_vreg.gather [hbm4b:s2+s3], $0x80, v4, vm0, $0xb8;
	[tilespmem:$0x1E100] =	vst v63  }
0xaf: {  	v3 =	vperm.xlane v3, v2;
	s19 =	simm.s32 $0x18900  }
0xb0: {  	[tilespmem:s19], [sflag:$0x3] =	stream.indirect_vreg.gather [hbm4b:s5+s3], $0x80, v4, vm0, $0xb8;
	[tilespmem:$0x1E100] =	vst v63  }
0xb1: {  	v3 =	vadd.s32 v1, v3;
	s19 =	simm.s32 $0x19100  }
0xb2: {  	[tilespmem:s19], [sflag:$0x3] =	stream.indirect_vreg.gather [hbm4b:s6+s3], $0x80, v4, vm0, $0xb8;
	[tilespmem:$0x1E100] =	vst v63  }
0xb3: {  	s19 =	simm.s32 $0x19900  }
0xb4: {  	[tilespmem:s19], [sflag:$0x3] =	stream.indirect_vreg.gather [hbm4b:s7+s3], $0x80, v4, vm0, $0xb8;
	[tilespmem:$0x1E100] =	vst v63  }
0xb5: {  	s19 =	simm.s32 $0x1A100  }
0xb6: {  	[tilespmem:s19], [sflag:$0x3] =	stream.indirect_vreg.gather [hbm4b:s2+s3], $0x80, v3, vm0, $0xb8;
	[tilespmem:$0x1E100] =	vst v63  }
0xb7: {  	s19 =	simm.s32 $0x1A900  }
0xb8: {  	[tilespmem:s19], [sflag:$0x3] =	stream.indirect_vreg.gather [hbm4b:s5+s3], $0x80, v3, vm0, $0xb8;
	[tilespmem:$0x1E100] =	vst v63  }
0xb9: {  	s19 =	simm.s32 $0x1B100  }
0xba: {  	[tilespmem:s19], [sflag:$0x3] =	stream.indirect_vreg.gather [hbm4b:s6+s3], $0x80, v3, vm0, $0xb8;
	[tilespmem:$0x1E100] =	vst v63  }
0xbb: {  	s19 =	simm.s32 $0x1B900  }
0xbc: {  	[tilespmem:s19], [sflag:$0x3] =	stream.indirect_vreg.gather [hbm4b:s7+s3], $0x80, v3, vm0, $0xb8;
	[tilespmem:$0x1E100] =	vst v63  }
0xbd: {  	v3 =	vld.msk [tilespmem:$0x70], $0xff;
	_ =	sdelay $0x4  }
0xbe: {  	v53 =	vshll.u32 v3, $0x3  }
0xbf: {  	v3 =	vand.u32 $0x7, v3;
	v4 =	vand.u32 $0xFFFFFFC0, v53  }
0xc0: {  	v3 =	vor.u32 v3, v4  }
0xc1: {  	v3 =	vperm.xlane v3, v0;
	_ =	sdelay $0x1  }
0xc2: {  	v3 =	vadd.s32 v1, v3;
	_ =	sdelay $0x3  }
0xc3: {  	s19 =	simm.s32 $0x1C100  }
0xc4: {  	[tilespmem:s19], [sflag:$0x3] =	stream.indirect_vreg.gather [hbm4b:s2+s3], $0x80, v3, vm0, $0xb8;
	[tilespmem:$0x1E100] =	vst v63  }
0xc5: {  	s19 =	simm.s32 $0x1C900  }
0xc6: {  	[tilespmem:s19], [sflag:$0x3] =	stream.indirect_vreg.gather [hbm4b:s5+s3], $0x80, v3, vm0, $0xb8;
	[tilespmem:$0x1E100] =	vst v63  }
0xc7: {  	s19 =	simm.s32 $0x1D100  }
0xc8: {  	[tilespmem:s19], [sflag:$0x3] =	stream.indirect_vreg.gather [hbm4b:s6+s3], $0x80, v3, vm0, $0xb8;
	[tilespmem:$0x1E100] =	vst v63  }
0xc9: {  	s19 =	simm.s32 $0x1D900  }
0xca: {  	[tilespmem:s19], [sflag:$0x3] =	stream.indirect_vreg.gather [hbm4b:s7+s3], $0x80, v3, vm0, $0xb8;
	[tilespmem:$0x1E100] =	vst v63  }
0xcb: {  	_ =	swait.ge [sflag:s4], $0xA000  }
0xcc: {  	[sflag:s4] =	ssyncset.done $0x0  }
0xcd: {  	s19 =	rddreg [dreg:$0xd];
	[sflag:s4] =	ssyncadd.s32 $0xFFFF6000  }
0xce: {  	[hbm4b:s19+s3] =	stream.linear.scatter [tilespmem:s30], [sflag:$0x4], $0xA000, $0x38;
	[tilespmem:$0x1E100] =	vst v63  }
0xcf: {  	_ =	swait.ge [sflag:s29], $0xA000  }
0xd0: {  	[sflag:s29] =	ssyncset.done $0x0  }
0xd1: {  	[sflag:s29] =	ssyncadd.s32 $0xFFFF6000  }
0xd2: {  	v3 =	vld [tilespmem:$0x78];
	_ =	sdelay $0x4  }
0xd3: {  	v54 =	vshll.u32 v3, $0x3  }
0xd4: {  	v3 =	vand.u32 $0x7, v3;
	v4 =	vand.u32 $0xFFFFFFC0, v54  }
0xd5: {  	v3 =	vor.u32 v3, v4  }
0xd6: {  	v4 =	vperm.xlane v3, v0;
	_ =	sdelay $0x1  }
0xd7: {  	v4 =	vadd.s32 v1, v4;
	_ =	sdelay $0x4  }
0xd8: {  	[tilespmem:s30], [sflag:$0x1] =	stream.indirect_vreg.gather [hbm4b:s2+s3], $0x80, v4, vm0, $0xb8;
	[tilespmem:$0x1E100] =	vst v63  }
0xd9: {  	s19 =	simm.s32 $0x900;
	v3 =	vperm.xlane v3, v2  }
0xda: {  	[tilespmem:s19], [sflag:$0x1] =	stream.indirect_vreg.gather [hbm4b:s5+s3], $0x80, v4, vm0, $0xb8;
	[tilespmem:$0x1E100] =	vst v63  }
0xdb: {  	v3 =	vadd.s32 v1, v3;
	s19 =	simm.s32 $0x1100  }
0xdc: {  	[tilespmem:s19], [sflag:$0x1] =	stream.indirect_vreg.gather [hbm4b:s6+s3], $0x80, v4, vm0, $0xb8;
	[tilespmem:$0x1E100] =	vst v63  }
0xdd: {  	s19 =	simm.s32 $0x1900  }
0xde: {  	[tilespmem:s19], [sflag:$0x1] =	stream.indirect_vreg.gather [hbm4b:s7+s3], $0x80, v4, vm0, $0xb8;
	[tilespmem:$0x1E100] =	vst v63  }
0xdf: {  	s19 =	simm.s32 $0x2100  }
0xe0: {  	[tilespmem:s19], [sflag:$0x1] =	stream.indirect_vreg.gather [hbm4b:s2+s3], $0x80, v3, vm0, $0xb8;
	[tilespmem:$0x1E100] =	vst v63  }
0xe1: {  	s19 =	simm.s32 $0x2900  }
0xe2: {  	[tilespmem:s19], [sflag:$0x1] =	stream.indirect_vreg.gather [hbm4b:s5+s3], $0x80, v3, vm0, $0xb8;
	[tilespmem:$0x1E100] =	vst v63  }
0xe3: {  	s19 =	simm.s32 $0x3100  }
0xe4: {  	[tilespmem:s19], [sflag:$0x1] =	stream.indirect_vreg.gather [hbm4b:s6+s3], $0x80, v3, vm0, $0xb8;
	[tilespmem:$0x1E100] =	vst v63  }
0xe5: {  	s19 =	simm.s32 $0x3900  }
0xe6: {  	[tilespmem:s19], [sflag:$0x1] =	stream.indirect_vreg.gather [hbm4b:s7+s3], $0x80, v3, vm0, $0xb8;
	[tilespmem:$0x1E100] =	vst v63  }
0xe7: {  	v3 =	vld [tilespmem:$0x88];
	_ =	sdelay $0x4  }
0xe8: {  	v55 =	vshll.u32 v3, $0x3  }
0xe9: {  	v3 =	vand.u32 $0x7, v3;
	v4 =	vand.u32 $0xFFFFFFC0, v55  }
0xea: {  	v3 =	vor.u32 v3, v4  }
0xeb: {  	v4 =	vperm.xlane v3, v0;
	_ =	sdelay $0x1  }
0xec: {  	v4 =	vadd.s32 v1, v4;
	_ =	sdelay $0x4  }
0xed: {  	[tilespmem:s22], [sflag:$0x1] =	stream.indirect_vreg.gather [hbm4b:s2+s3], $0x80, v4, vm0, $0xb8;
	[tilespmem:$0x1E100] =	vst v63  }
0xee: {  	v3 =	vperm.xlane v3, v2  }
0xef: {  	[tilespmem:s23], [sflag:$0x1] =	stream.indirect_vreg.gather [hbm4b:s5+s3], $0x80, v4, vm0, $0xb8;
	[tilespmem:$0x1E100] =	vst v63  }
0xf0: {  	v3 =	vadd.s32 v1, v3  }
0xf1: {  	[tilespmem:s24], [sflag:$0x1] =	stream.indirect_vreg.gather [hbm4b:s6+s3], $0x80, v4, vm0, $0xb8;
	[tilespmem:$0x1E100] =	vst v63  }
0xf2: {  	_ = 	snop  }
0xf3: {  	[tilespmem:s25], [sflag:$0x1] =	stream.indirect_vreg.gather [hbm4b:s7+s3], $0x80, v4, vm0, $0xb8;
	[tilespmem:$0x1E100] =	vst v63  }
0xf4: {  	_ = 	snop  }
0xf5: {  	[tilespmem:s26], [sflag:$0x1] =	stream.indirect_vreg.gather [hbm4b:s2+s3], $0x80, v3, vm0, $0xb8;
	[tilespmem:$0x1E100] =	vst v63  }
0xf6: {  	_ = 	snop  }
0xf7: {  	[tilespmem:s28], [sflag:$0x1] =	stream.indirect_vreg.gather [hbm4b:s5+s3], $0x80, v3, vm0, $0xb8;
	[tilespmem:$0x1E100] =	vst v63  }
0xf8: {  	_ = 	snop  }
0xf9: {  	[tilespmem:s11], [sflag:$0x1] =	stream.indirect_vreg.gather [hbm4b:s6+s3], $0x80, v3, vm0, $0xb8;
	[tilespmem:$0x1E100] =	vst v63  }
0xfa: {  	_ = 	snop  }
0xfb: {  	[tilespmem:s21], [sflag:$0x1] =	stream.indirect_vreg.gather [hbm4b:s7+s3], $0x80, v3, vm0, $0xb8;
	[tilespmem:$0x1E100] =	vst v63  }
0xfc: {  	v3 =	vld.msk [tilespmem:$0x98], $0xff;
	_ =	sdelay $0x4  }
0xfd: {  	v56 =	vshll.u32 v3, $0x3  }
0xfe: {  	v3 =	vand.u32 $0x7, v3;
	v4 =	vand.u32 $0xFFFFFFC0, v56  }
0xff: {  	v3 =	vor.u32 v3, v4  }
0x100: {  	v3 =	vperm.xlane v3, v0;
	_ =	sdelay $0x1  }
0x101: {  	v3 =	vadd.s32 v1, v3;
	_ =	sdelay $0x4  }
0x102: {  	[tilespmem:s9], [sflag:$0x1] =	stream.indirect_vreg.gather [hbm4b:s2+s3], $0x80, v3, vm0, $0xb8;
	[tilespmem:$0x1E100] =	vst v63  }
0x103: {  	_ = 	snop  }
0x104: {  	[tilespmem:s12], [sflag:$0x1] =	stream.indirect_vreg.gather [hbm4b:s5+s3], $0x80, v3, vm0, $0xb8;
	[tilespmem:$0x1E100] =	vst v63  }
0x105: {  	_ = 	snop  }
0x106: {  	[tilespmem:s13], [sflag:$0x1] =	stream.indirect_vreg.gather [hbm4b:s6+s3], $0x80, v3, vm0, $0xb8;
	[tilespmem:$0x1E100] =	vst v63  }
0x107: {  	s9 =	simm.s32 $0x2  }
0x108: {  	[tilespmem:s14], [sflag:$0x1] =	stream.indirect_vreg.gather [hbm4b:s7+s3], $0x80, v3, vm0, $0xb8;
	[tilespmem:$0x1E100] =	vst v63  }
0x109: {  	_ =	swait.ge [sflag:s9], $0xA000  }
0x10a: {  	s11 =	simm.s32 $0x5;
	[sflag:s9] =	ssyncset.done $0x0  }
0x10b: {  	s13 =	simm.s32 $0xA100;
	s12 =	rddreg [dreg:$0x6];
	[sflag:s9] =	ssyncadd.s32 $0xFFFF6000  }
0x10c: {  	[hbm4b:s12+s3] =	stream.linear.scatter [tilespmem:s13], [sflag:$0x5], $0xA000, $0x38;
	[tilespmem:$0x1E100] =	vst v63  }
0x10d: {  	_ =	swait.ge [sflag:s11], $0xA000  }
0x10e: {  	[sflag:s11] =	ssyncset.done $0x0  }
0x10f: {  	[sflag:s11] =	ssyncadd.s32 $0xFFFF6000  }
0x110: {  	v3 =	vld [tilespmem:$0xA0];
	_ =	sdelay $0x4  }
0x111: {  	v57 =	vshll.u32 v3, $0x3  }
0x112: {  	v3 =	vand.u32 $0x7, v3;
	v4 =	vand.u32 $0xFFFFFFC0, v57  }
0x113: {  	v3 =	vor.u32 v3, v4  }
0x114: {  	v4 =	vperm.xlane v3, v0;
	_ =	sdelay $0x1  }
0x115: {  	v4 =	vadd.s32 v1, v4;
	_ =	sdelay $0x4  }
0x116: {  	[tilespmem:s13], [sflag:$0x2] =	stream.indirect_vreg.gather [hbm4b:s2+s3], $0x80, v4, vm0, $0xb8;
	[tilespmem:$0x1E100] =	vst v63  }
0x117: {  	v3 =	vperm.xlane v3, v2  }
0x118: {  	[tilespmem:s15], [sflag:$0x2] =	stream.indirect_vreg.gather [hbm4b:s5+s3], $0x80, v4, vm0, $0xb8;
	[tilespmem:$0x1E100] =	vst v63  }
0x119: {  	v3 =	vadd.s32 v1, v3  }
0x11a: {  	[tilespmem:s16], [sflag:$0x2] =	stream.indirect_vreg.gather [hbm4b:s6+s3], $0x80, v4, vm0, $0xb8;
	[tilespmem:$0x1E100] =	vst v63  }
0x11b: {  	_ = 	snop  }
0x11c: {  	[tilespmem:s17], [sflag:$0x2] =	stream.indirect_vreg.gather [hbm4b:s7+s3], $0x80, v4, vm0, $0xb8;
	[tilespmem:$0x1E100] =	vst v63  }
0x11d: {  	_ = 	snop  }
0x11e: {  	[tilespmem:s31], [sflag:$0x2] =	stream.indirect_vreg.gather [hbm4b:s2+s3], $0x80, v3, vm0, $0xb8;
	[tilespmem:$0x1E100] =	vst v63  }
0x11f: {  	_ = 	snop  }
0x120: {  	[tilespmem:s10], [sflag:$0x2] =	stream.indirect_vreg.gather [hbm4b:s5+s3], $0x80, v3, vm0, $0xb8;
	[tilespmem:$0x1E100] =	vst v63  }
0x121: {  	_ = 	snop  }
0x122: {  	[tilespmem:s1], [sflag:$0x2] =	stream.indirect_vreg.gather [hbm4b:s6+s3], $0x80, v3, vm0, $0xb8;
	[tilespmem:$0x1E100] =	vst v63  }
0x123: {  	s13 =	simm.s32 $0xD900  }
0x124: {  	[tilespmem:s13], [sflag:$0x2] =	stream.indirect_vreg.gather [hbm4b:s7+s3], $0x80, v3, vm0, $0xb8;
	[tilespmem:$0x1E100] =	vst v63  }
0x125: {  	v3 =	vld [tilespmem:$0xB0];
	_ =	sdelay $0x4  }
0x126: {  	v58 =	vshll.u32 v3, $0x3  }
0x127: {  	v3 =	vand.u32 $0x7, v3;
	v4 =	vand.u32 $0xFFFFFFC0, v58  }
0x128: {  	v3 =	vor.u32 v3, v4  }
0x129: {  	v4 =	vperm.xlane v3, v0;
	_ =	sdelay $0x1  }
0x12a: {  	v4 =	vadd.s32 v1, v4;
	_ =	sdelay $0x4  }
0x12b: {  	[tilespmem:s18], [sflag:$0x2] =	stream.indirect_vreg.gather [hbm4b:s2+s3], $0x80, v4, vm0, $0xb8;
	[tilespmem:$0x1E100] =	vst v63  }
0x12c: {  	v3 =	vperm.xlane v3, v2  }
0x12d: {  	[tilespmem:s20], [sflag:$0x2] =	stream.indirect_vreg.gather [hbm4b:s5+s3], $0x80, v4, vm0, $0xb8;
	[tilespmem:$0x1E100] =	vst v63  }
0x12e: {  	s15 =	simm.s32 $0xF100;
	v3 =	vadd.s32 v1, v3  }
0x12f: {  	[tilespmem:s15], [sflag:$0x2] =	stream.indirect_vreg.gather [hbm4b:s6+s3], $0x80, v4, vm0, $0xb8;
	[tilespmem:$0x1E100] =	vst v63  }
0x130: {  	s19 =	simm.s32 $0xF900  }
0x131: {  	[tilespmem:s19], [sflag:$0x2] =	stream.indirect_vreg.gather [hbm4b:s7+s3], $0x80, v4, vm0, $0xb8;
	[tilespmem:$0x1E100] =	vst v63  }
0x132: {  	s20 =	simm.s32 $0x10100  }
0x133: {  	[tilespmem:s20], [sflag:$0x2] =	stream.indirect_vreg.gather [hbm4b:s2+s3], $0x80, v3, vm0, $0xb8;
	[tilespmem:$0x1E100] =	vst v63  }
0x134: {  	s10 =	simm.s32 $0x10900  }
0x135: {  	[tilespmem:s10], [sflag:$0x2] =	stream.indirect_vreg.gather [hbm4b:s5+s3], $0x80, v3, vm0, $0xb8;
	[tilespmem:$0x1E100] =	vst v63  }
0x136: {  	s13 =	simm.s32 $0x11100  }
0x137: {  	[tilespmem:s13], [sflag:$0x2] =	stream.indirect_vreg.gather [hbm4b:s6+s3], $0x80, v3, vm0, $0xb8;
	[tilespmem:$0x1E100] =	vst v63  }
0x138: {  	s15 =	simm.s32 $0x11900  }
0x139: {  	[tilespmem:s15], [sflag:$0x2] =	stream.indirect_vreg.gather [hbm4b:s7+s3], $0x80, v3, vm0, $0xb8;
	[tilespmem:$0x1E100] =	vst v63  }
0x13a: {  	v3 =	vld.msk [tilespmem:$0xC0], $0xff;
	_ =	sdelay $0x4  }
0x13b: {  	v59 =	vshll.u32 v3, $0x3  }
0x13c: {  	v3 =	vand.u32 $0x7, v3;
	v4 =	vand.u32 $0xFFFFFFC0, v59  }
0x13d: {  	v3 =	vor.u32 v3, v4  }
0x13e: {  	v3 =	vperm.xlane v3, v0;
	_ =	sdelay $0x1  }
0x13f: {  	v3 =	vadd.s32 v1, v3;
	_ =	sdelay $0x3  }
0x140: {  	s19 =	simm.s32 $0x12100  }
0x141: {  	[tilespmem:s19], [sflag:$0x2] =	stream.indirect_vreg.gather [hbm4b:s2+s3], $0x80, v3, vm0, $0xb8;
	[tilespmem:$0x1E100] =	vst v63  }
0x142: {  	s20 =	simm.s32 $0x12900  }
0x143: {  	[tilespmem:s20], [sflag:$0x2] =	stream.indirect_vreg.gather [hbm4b:s5+s3], $0x80, v3, vm0, $0xb8;
	[tilespmem:$0x1E100] =	vst v63  }
0x144: {  	s10 =	simm.s32 $0x13100  }
0x145: {  	[tilespmem:s10], [sflag:$0x2] =	stream.indirect_vreg.gather [hbm4b:s6+s3], $0x80, v3, vm0, $0xb8;
	[tilespmem:$0x1E100] =	vst v63  }
0x146: {  	s1 =	simm.s32 $0x3;
	s13 =	simm.s32 $0x13900  }
0x147: {  	[tilespmem:s13], [sflag:$0x2] =	stream.indirect_vreg.gather [hbm4b:s7+s3], $0x80, v3, vm0, $0xb8;
	[tilespmem:$0x1E100] =	vst v63  }
0x148: {  	_ =	swait.ge [sflag:s1], $0xA000  }
0x149: {  	[sflag:s1] =	ssyncset.done $0x0  }
0x14a: {  	s10 =	simm.s32 $0x6;
	s15 =	rddreg [dreg:$0x7];
	[sflag:s1] =	ssyncadd.s32 $0xFFFF6000  }
0x14b: {  	[hbm4b:s15+s3] =	stream.linear.scatter [tilespmem:s0], [sflag:$0x6], $0xA000, $0x38;
	[tilespmem:$0x1E100] =	vst v63  }
0x14c: {  	_ =	swait.ge [sflag:s10], $0xA000  }
0x14d: {  	[sflag:s10] =	ssyncset.done $0x0  }
0x14e: {  	[sflag:s10] =	ssyncadd.s32 $0xFFFF6000  }
0x14f: {  	v3 =	vld [tilespmem:$0xC8];
	_ =	sdelay $0x4  }
0x150: {  	v60 =	vshll.u32 v3, $0x3  }
0x151: {  	v3 =	vand.u32 $0x7, v3;
	v4 =	vand.u32 $0xFFFFFFC0, v60  }
0x152: {  	v3 =	vor.u32 v3, v4  }
0x153: {  	v4 =	vperm.xlane v3, v0;
	_ =	sdelay $0x1  }
0x154: {  	v4 =	vadd.s32 v1, v4;
	_ =	sdelay $0x4  }
0x155: {  	[tilespmem:s0], [sflag:$0x3] =	stream.indirect_vreg.gather [hbm4b:s2+s3], $0x80, v4, vm0, $0xb8;
	[tilespmem:$0x1E100] =	vst v63  }
0x156: {  	s20 =	simm.s32 $0x14900;
	v3 =	vperm.xlane v3, v2  }
0x157: {  	[tilespmem:s20], [sflag:$0x3] =	stream.indirect_vreg.gather [hbm4b:s5+s3], $0x80, v4, vm0, $0xb8;
	[tilespmem:$0x1E100] =	vst v63  }
0x158: {  	s15 =	simm.s32 $0x15100;
	v3 =	vadd.s32 v1, v3  }
0x159: {  	[tilespmem:s15], [sflag:$0x3] =	stream.indirect_vreg.gather [hbm4b:s6+s3], $0x80, v4, vm0, $0xb8;
	[tilespmem:$0x1E100] =	vst v63  }
0x15a: {  	s19 =	simm.s32 $0x15900  }
0x15b: {  	[tilespmem:s19], [sflag:$0x3] =	stream.indirect_vreg.gather [hbm4b:s7+s3], $0x80, v4, vm0, $0xb8;
	[tilespmem:$0x1E100] =	vst v63  }
0x15c: {  	s20 =	simm.s32 $0x16100  }
0x15d: {  	[tilespmem:s20], [sflag:$0x3] =	stream.indirect_vreg.gather [hbm4b:s2+s3], $0x80, v3, vm0, $0xb8;
	[tilespmem:$0x1E100] =	vst v63  }
0x15e: {  	s15 =	simm.s32 $0x16900  }
0x15f: {  	[tilespmem:s15], [sflag:$0x3] =	stream.indirect_vreg.gather [hbm4b:s5+s3], $0x80, v3, vm0, $0xb8;
	[tilespmem:$0x1E100] =	vst v63  }
0x160: {  	s19 =	simm.s32 $0x17100  }
0x161: {  	[tilespmem:s19], [sflag:$0x3] =	stream.indirect_vreg.gather [hbm4b:s6+s3], $0x80, v3, vm0, $0xb8;
	[tilespmem:$0x1E100] =	vst v63  }
0x162: {  	s20 =	simm.s32 $0x17900  }
0x163: {  	[tilespmem:s20], [sflag:$0x3] =	stream.indirect_vreg.gather [hbm4b:s7+s3], $0x80, v3, vm0, $0xb8;
	[tilespmem:$0x1E100] =	vst v63  }
0x164: {  	v3 =	vld [tilespmem:$0xD8];
	_ =	sdelay $0x4  }
0x165: {  	v61 =	vshll.u32 v3, $0x3  }
0x166: {  	v3 =	vand.u32 $0x7, v3;
	v4 =	vand.u32 $0xFFFFFFC0, v61  }
0x167: {  	v3 =	vor.u32 v3, v4  }
0x168: {  	v4 =	vperm.xlane v3, v0;
	_ =	sdelay $0x1  }
0x169: {  	v4 =	vadd.s32 v1, v4;
	_ =	sdelay $0x3  }
0x16a: {  	s15 =	simm.s32 $0x18100  }
0x16b: {  	[tilespmem:s15], [sflag:$0x3] =	stream.indirect_vreg.gather [hbm4b:s2+s3], $0x80, v4, vm0, $0xb8;
	[tilespmem:$0x1E100] =	vst v63  }
0x16c: {  	s19 =	simm.s32 $0x18900;
	v3 =	vperm.xlane v3, v2  }
0x16d: {  	[tilespmem:s19], [sflag:$0x3] =	stream.indirect_vreg.gather [hbm4b:s5+s3], $0x80, v4, vm0, $0xb8;
	[tilespmem:$0x1E100] =	vst v63  }
0x16e: {  	s20 =	simm.s32 $0x19100;
	v3 =	vadd.s32 v1, v3  }
0x16f: {  	[tilespmem:s20], [sflag:$0x3] =	stream.indirect_vreg.gather [hbm4b:s6+s3], $0x80, v4, vm0, $0xb8;
	[tilespmem:$0x1E100] =	vst v63  }
0x170: {  	s15 =	simm.s32 $0x19900  }
0x171: {  	[tilespmem:s15], [sflag:$0x3] =	stream.indirect_vreg.gather [hbm4b:s7+s3], $0x80, v4, vm0, $0xb8;
	[tilespmem:$0x1E100] =	vst v63  }
0x172: {  	s19 =	simm.s32 $0x1A100  }
0x173: {  	[tilespmem:s19], [sflag:$0x3] =	stream.indirect_vreg.gather [hbm4b:s2+s3], $0x80, v3, vm0, $0xb8;
	[tilespmem:$0x1E100] =	vst v63  }
0x174: {  	s20 =	simm.s32 $0x1A900  }
0x175: {  	[tilespmem:s20], [sflag:$0x3] =	stream.indirect_vreg.gather [hbm4b:s5+s3], $0x80, v3, vm0, $0xb8;
	[tilespmem:$0x1E100] =	vst v63  }
0x176: {  	s15 =	simm.s32 $0x1B100  }
0x177: {  	[tilespmem:s15], [sflag:$0x3] =	stream.indirect_vreg.gather [hbm4b:s6+s3], $0x80, v3, vm0, $0xb8;
	[tilespmem:$0x1E100] =	vst v63  }
0x178: {  	s19 =	simm.s32 $0x1B900  }
0x179: {  	[tilespmem:s19], [sflag:$0x3] =	stream.indirect_vreg.gather [hbm4b:s7+s3], $0x80, v3, vm0, $0xb8;
	[tilespmem:$0x1E100] =	vst v63  }
0x17a: {  	v3 =	vld.msk [tilespmem:$0xE8], $0xff;
	_ =	sdelay $0x4  }
0x17b: {  	v62 =	vshll.u32 v3, $0x3  }
0x17c: {  	v3 =	vand.u32 $0x7, v3;
	v4 =	vand.u32 $0xFFFFFFC0, v62  }
0x17d: {  	v3 =	vor.u32 v3, v4  }
0x17e: {  	v3 =	vperm.xlane v3, v0;
	_ =	sdelay $0x1  }
0x17f: {  	v3 =	vadd.s32 v1, v3;
	_ =	sdelay $0x3  }
0x180: {  	s20 =	simm.s32 $0x1C100  }
0x181: {  	[tilespmem:s20], [sflag:$0x3] =	stream.indirect_vreg.gather [hbm4b:s2+s3], $0x80, v3, vm0, $0xb8;
	[tilespmem:$0x1E100] =	vst v63  }
0x182: {  	s15 =	simm.s32 $0x1C900  }
0x183: {  	[tilespmem:s15], [sflag:$0x3] =	stream.indirect_vreg.gather [hbm4b:s5+s3], $0x80, v3, vm0, $0xb8;
	[tilespmem:$0x1E100] =	vst v63  }
0x184: {  	s19 =	simm.s32 $0x1D100  }
0x185: {  	[tilespmem:s19], [sflag:$0x3] =	stream.indirect_vreg.gather [hbm4b:s6+s3], $0x80, v3, vm0, $0xb8;
	[tilespmem:$0x1E100] =	vst v63  }
0x186: {  	s20 =	simm.s32 $0x1D900  }
0x187: {  	[tilespmem:s20], [sflag:$0x3] =	stream.indirect_vreg.gather [hbm4b:s7+s3], $0x80, v3, vm0, $0xb8;
	[tilespmem:$0x1E100] =	vst v63  }
0x188: {  	_ =	swait.ge [sflag:s4], $0xA000  }
0x189: {  	[sflag:s4] =	ssyncset.done $0x0  }
0x18a: {  	s15 =	rddreg [dreg:$0x8];
	[sflag:s4] =	ssyncadd.s32 $0xFFFF6000  }
0x18b: {  	[hbm4b:s15+s3] =	stream.linear.scatter [tilespmem:s30], [sflag:$0x4], $0xA000, $0x38;
	[tilespmem:$0x1E100] =	vst v63  }
0x18c: {  	_ =	swait.ge [sflag:s29], $0xA000  }
0x18d: {  	[sflag:s29] =	ssyncset.done $0x0  }
0x18e: {  	[sflag:s29] =	ssyncadd.s32 $0xFFFF6000  }
0x18f: {  	v3 =	vld [tilespmem:$0xF0];
	_ =	sdelay $0x4  }
0x190: {  	v63 =	vshll.u32 v3, $0x3  }
0x191: {  	v3 =	vand.u32 $0x7, v3;
	v4 =	vand.u32 $0xFFFFFFC0, v63  }
0x192: {  	v3 =	vor.u32 v3, v4  }
0x193: {  	v4 =	vperm.xlane v3, v0;
	_ =	sdelay $0x1  }
0x194: {  	v4 =	vadd.s32 v1, v4;
	_ =	sdelay $0x4  }
0x195: {  	[tilespmem:s30], [sflag:$0x1] =	stream.indirect_vreg.gather [hbm4b:s2+s3], $0x80, v4, vm0, $0xb8;
	[tilespmem:$0x1E100] =	vst v63  }
0x196: {  	s20 =	simm.s32 $0x900;
	v3 =	vperm.xlane v3, v2  }
0x197: {  	[tilespmem:s20], [sflag:$0x1] =	stream.indirect_vreg.gather [hbm4b:s5+s3], $0x80, v4, vm0, $0xb8;
	[tilespmem:$0x1E100] =	vst v63  }
0x198: {  	s15 =	simm.s32 $0x1100;
	v3 =	vadd.s32 v1, v3  }
0x199: {  	[tilespmem:s15], [sflag:$0x1] =	stream.indirect_vreg.gather [hbm4b:s6+s3], $0x80, v4, vm0, $0xb8;
	[tilespmem:$0x1E100] =	vst v63  }
0x19a: {  	s19 =	simm.s32 $0x1900  }
0x19b: {  	[tilespmem:s19], [sflag:$0x1] =	stream.indirect_vreg.gather [hbm4b:s7+s3], $0x80, v4, vm0, $0xb8;
	[tilespmem:$0x1E100] =	vst v63  }
0x19c: {  	s20 =	simm.s32 $0x2100  }
0x19d: {  	[tilespmem:s20], [sflag:$0x1] =	stream.indirect_vreg.gather [hbm4b:s2+s3], $0x80, v3, vm0, $0xb8;
	[tilespmem:$0x1E100] =	vst v63  }
0x19e: {  	s15 =	simm.s32 $0x2900  }
0x19f: {  	[tilespmem:s15], [sflag:$0x1] =	stream.indirect_vreg.gather [hbm4b:s5+s3], $0x80, v3, vm0, $0xb8;
	[tilespmem:$0x1E100] =	vst v63  }
0x1a0: {  	s19 =	simm.s32 $0x3100  }
0x1a1: {  	[tilespmem:s19], [sflag:$0x1] =	stream.indirect_vreg.gather [hbm4b:s6+s3], $0x80, v3, vm0, $0xb8;
	[tilespmem:$0x1E100] =	vst v63  }
0x1a2: {  	s20 =	simm.s32 $0x3900  }
0x1a3: {  	[tilespmem:s20], [sflag:$0x1] =	stream.indirect_vreg.gather [hbm4b:s7+s3], $0x80, v3, vm0, $0xb8;
	[tilespmem:$0x1E100] =	vst v63  }
0x1a4: {  	_ =	swait.ge [sflag:s9], $0xA000  }
0x1a5: {  	[sflag:s9] =	ssyncset.done $0x0  }
0x1a6: {  	s12 =	simm.s32 $0xA100;
	s13 =	rddreg [dreg:$0x9];
	[sflag:s9] =	ssyncadd.s32 $0xFFFF6000  }
0x1a7: {  	[hbm4b:s13+s3] =	stream.linear.scatter [tilespmem:s12], [sflag:$0x5], $0xA000, $0x38;
	[tilespmem:$0x1E100] =	vst v63  }
0x1a8: {  	_ =	swait.ge [sflag:s1], $0xA000  }
0x1a9: {  	[sflag:s1] =	ssyncset.done $0x0  }
0x1aa: {  	s15 =	rddreg [dreg:$0xa];
	[sflag:s1] =	ssyncadd.s32 $0xFFFF6000  }
0x1ab: {  	[hbm4b:s15+s3] =	stream.linear.scatter [tilespmem:s0], [sflag:$0x6], $0xA000, $0x38;
	[tilespmem:$0x1E100] =	vst v63  }
0x1ac: {  	_ =	swait.ge [sflag:s4], $0x4000  }
0x1ad: {  	[sflag:s4] =	ssyncset.done $0x0  }
0x1ae: {  	s20 =	rddreg [dreg:$0xb];
	[sflag:s4] =	ssyncadd.s32 $0xFFFFC000  }
0x1af: {  	[hbm4b:s20+s3] =	stream.linear.scatter [tilespmem:s30], [sflag:$0x4], $0x4000, $0x38;
	[tilespmem:$0x1E100] =	vst v63  }
0x1b0: {  	_ =	swait.ge [sflag:s29], $0x4000  }
0x1b1: {  	[sflag:s29] =	ssyncset.done $0x0  }
0x1b2: {  	[sflag:s29] =	ssyncadd.s32 $0xFFFFC000  }
0x1b3: {  	p0 =	sne.s32 s8, $0x1;
	_ =	swait.ge [sflag:s11], $0xA000  }
.Ltmp0:
0x1b4: {  	[sflag:s11] =	ssyncset.done $0x0;
	(pc) =	sbr.rel @p0 .LBB2_1-.Ltmp0, $4  }
0x1b5: {  	[sflag:s11] =	ssyncadd.s32 $0xFFFF6000  }
0x1b6: {  	_ =	swait.ge [sflag:s10], $0xA000  }
0x1b7: {  	[sflag:s10] =	ssyncset.done $0x0  }
0x1b8: {  	s8 =	sadd.s32 $0xFFFFFFFF, s8;
	[sflag:s10] =	ssyncadd.s32 $0xFFFF6000  }
0x1b9: {  	_ =	sfence.sel $0x180000  }
0x1ba: {  	[bflag:$0x0] =	sbarrier.arrive $0xFFFF  }
0x1bb: {  	_ =	strace $0x90000047  }
0x1bc: {  	s0 =	stileid.u32;
	[bflag:$0x2] =	sbarrier.arrive $0xFFFF  }
0x1bd: {  	p0 =	sne.s32 s0, $0x0;
	s0 =	rddreg [dreg:$0x3]  }
0x1be: {  	s0 =	sadd.s32 @!p0 $0x100000, s0  }
0x1bf: {  	[sflag:s0] =	ssyncadd.tile.s32 @!p0 $0x1;
	_ =	shalt  }
.Lfunc_end2:
_tile_overlayer_lowered:
.L_overlay_start_2:
0x1c0: {  	(tag) =	ssettag $0x2  }
0x1c1: {  	s0 =	rddreg [dreg:$0x0];
	s2 =	stileid.u32  }
0x1c2: {  	s1 =	rddreg [dreg:$0x1];
	p0 =	sne.s32 s2, $0x0  }
0x1c3: {  	s3 =	rddreg [dreg:$0x2];
	[bflag:$0x3] =	sbarrier.arrive $0xFFFF;
	s2 =	simm.s32 @!p0 $0x1C07  }
0x1c4: {  	[timem:s3], [sflag:s2] =	dma.local @!p0 [hbm:s0], s1  }
0x1c5: {  	s0 =	simm.s32 @!p0 $0x7  }
0x1c6: {  	_ =	swait.ge @!p0 [sflag:s0], s1  }
0x1c7: {  	s1 =	ssub.s32 @!p0 $0x0, s1;
	[sflag:s0] =	ssyncset.done @!p0 $0x0  }
0x1c8: {  	[sflag:s0] =	ssyncadd.s32 @!p0 s1  }
0x1c9: {  	[bflag:$0x3] =	sbarrier.arrive $0xFFFF  }
0x1ca: {  	_ =	shalt  }

</sc_bundles>
